<compile_context>
chip_gen: v7x
topology: tpu7x:2x2x1
jax: 0.10.2.dev20260603
libtpu: 0.0.44.dev20260713+nightly
codegen_flags: <defaults>
</compile_context>

<pallas_src>
import functools

import jax
import jax.numpy as jnp
from jax import lax
from jax.experimental import pallas as pl
from jax.experimental.pallas import tpu as pltpu
from jax.experimental.pallas import tpu_sc as plsc

_CUTOFF = 0.09
_NW = 32
_LANES = 16


def _sc_edge_gather(posx, posy, posz, typ, ei, e_pad, n_elem):
    n_edges = ei.shape[1]
    chunk = e_pad // _NW
    cols = e_pad // 8
    steps = chunk // _LANES
    n_atoms = posx.shape[0]
    e_al = ((n_edges + 127) // 128) * 128
    base_last = e_al - chunk
    assert base_last % 128 == 0 and chunk % 128 == 0
    valid_in_buf = n_edges - base_last

    def body(posx_h, posy_h, posz_h, typ_h, ei_h, r2_h, pr_h,
             px, py, pz, ty, ev, r2v, prv, sem):
        cid = lax.axis_index("c")
        sid = lax.axis_index("s")
        wid = cid * 16 + sid
        base = jnp.minimum(wid * chunk, base_last)
        row = base // cols
        c0 = base - row * cols
        h1 = pltpu.async_copy(posx_h, px, sem)
        h2 = pltpu.async_copy(posy_h, py, sem)
        h3 = pltpu.async_copy(posz_h, pz, sem)
        h4 = pltpu.async_copy(typ_h, ty, sem)
        h5 = pltpu.async_copy(ei_h.at[:, pl.ds(base, chunk)], ev, sem)
        h1.wait()
        h2.wait()
        h3.wait()
        h4.wait()
        h5.wait()

        if e_al > n_edges:
            @pl.when(wid * chunk >= base_last)
            def _zero_tail():
                lane = lax.iota(jnp.int32, _LANES)
                g0 = (valid_in_buf // _LANES) * _LANES
                for g in range(g0, chunk, _LANES):
                    keep = lane < max(0, min(_LANES, valid_in_buf - g))
                    tsl = pl.ds(g, _LANES)
                    ev[0, tsl] = jnp.where(keep, ev[0, tsl], 0)
                    ev[1, tsl] = jnp.where(keep, ev[1, tsl], 0)

        @plsc.parallel_loop(0, steps, step=1, unroll=8)
        def _step(i):
            sl = pl.ds(i * _LANES, _LANES)
            s = ev[0, sl]
            d = ev[1, sl]
            xs = plsc.load_gather(px, [s])
            xd = plsc.load_gather(px, [d])
            ys = plsc.load_gather(py, [s])
            yd = plsc.load_gather(py, [d])
            zs = plsc.load_gather(pz, [s])
            zd = plsc.load_gather(pz, [d])
            ts = plsc.load_gather(ty, [s])
            td = plsc.load_gather(ty, [d])
            ddx = xd - xs
            ddy = yd - ys
            ddz = zd - zs
            r2v[sl] = ddx * ddx + ddy * ddy + ddz * ddz
            prv[sl] = td * n_elem + ts
        pltpu.sync_copy(r2v, r2_h.at[row, pl.ds(c0, chunk)])
        pltpu.sync_copy(prv, pr_h.at[row, pl.ds(c0, chunk)])

    mesh = plsc.VectorSubcoreMesh(core_axis_name="c", subcore_axis_name="s")
    fn = pl.kernel(
        body,
        mesh=mesh,
        compiler_params=pltpu.CompilerParams(needs_layout_passes=False),
        out_type=(
            jax.ShapeDtypeStruct((8, cols), jnp.float32),
            jax.ShapeDtypeStruct((8, cols), jnp.int32),
        ),
        scratch_types=[
            pltpu.VMEM((n_atoms,), jnp.float32),
            pltpu.VMEM((n_atoms,), jnp.float32),
            pltpu.VMEM((n_atoms,), jnp.float32),
            pltpu.VMEM((n_atoms,), jnp.int32),
            pltpu.VMEM((2, chunk), jnp.int32),
            pltpu.VMEM((chunk,), jnp.float32),
            pltpu.VMEM((chunk,), jnp.int32),
            pltpu.SemaphoreType.DMA,
        ],
    )
    return fn(posx, posy, posz, typ, ei)


_BMAX = 10


def _tc_energy(r2p, prp, w1k, w2k, b2k, w3k, b3c, n_edges, ne):
    cols = r2p.shape[1]
    cb = cols // 8
    grid = cols // cb
    nfeat = _BMAX + 2 * ne

    def body(r2_ref, pr_ref, w1_ref, w2_ref, b2_ref, w3_ref, b3_ref, out_ref):
        pid = pl.program_id(0)

        @pl.when(pid == 0)
        def _():
            out_ref[0, 0] = 0.0

        r2 = r2_ref[...]
        pr = pr_ref[...]
        r = jnp.sqrt(r2)
        x = r * (1.0 / _CUTOFF)
        x2 = x * x
        x3 = x2 * x
        x6 = x3 * x3
        x7 = x6 * x
        x8 = x7 * x
        env = 1.0 - 28.0 * x6 + 48.0 * x7 - 21.0 * x8
        env = jnp.where(x < 1.0, env, 0.0)
        scale = jnp.sqrt(2.0 / _CUTOFF) * env / jnp.maximum(r, 1e-12)
        ang = jnp.pi * x
        c1 = jnp.cos(ang)
        two_c1 = c1 + c1
        s = [jnp.sin(ang) * scale]
        sm1 = jnp.zeros_like(r2)
        for _n in range(_BMAX - 1):
            s_next = two_c1 * s[-1] - sm1
            sm1 = s[-1]
            s.append(s_next)
        td = pr // ne
        ts = pr - td * ne
        oh = [(td == t).astype(jnp.float32) for t in range(ne)]
        oh += [(ts == t).astype(jnp.float32) for t in range(ne)]
        feat = jnp.concatenate(s + oh, axis=0)
        pre1 = jnp.dot(w1_ref[...], feat,
                       preferred_element_type=jnp.float32)
        h1 = pre1 * jax.nn.sigmoid(pre1)
        pre2 = jnp.dot(w2_ref[...], h1,
                       preferred_element_type=jnp.float32) + b2_ref[...]
        h2 = pre2 * jax.nn.sigmoid(pre2)
        evec = jnp.dot(w3_ref[...], h2,
                       preferred_element_type=jnp.float32)
        jrow = lax.broadcasted_iota(jnp.int32, (8, cb), 0) * cols
        lane = lax.broadcasted_iota(jnp.int32, (8, cb), 1)
        eid = jrow + pid * cb + lane
        e = jnp.where(eid < n_edges, evec + b3_ref[0, 0], 0.0)
        out_ref[0, 0] += 0.5 * jnp.sum(e)

    out = pl.pallas_call(
        body,
        grid=(grid,),
        in_specs=[
            pl.BlockSpec((8, cb), lambda i: (0, i)),
            pl.BlockSpec((8, cb), lambda i: (0, i)),
            pl.BlockSpec((128, 8 * nfeat), lambda i: (0, 0)),
            pl.BlockSpec((128, 128), lambda i: (0, 0)),
            pl.BlockSpec((128, 1), lambda i: (0, 0)),
            pl.BlockSpec((8, 128), lambda i: (0, 0)),
            pl.BlockSpec(memory_space=pltpu.SMEM),
        ],
        out_specs=pl.BlockSpec(memory_space=pltpu.SMEM),
        out_shape=jax.ShapeDtypeStruct((1, 1), jnp.float32),
    )(r2p, prp, w1k, w2k, b2k, w3k, b3c)
    return out


def kernel(positions, type_indices, edge_index, emb_table, W1, b1, W2, b2, W3, b3):
    n_edges = edge_index.shape[1]
    e_al = ((n_edges + 127) // 128) * 128
    chunk = ((e_al + _NW * 256 - 1) // (_NW * 256)) * 256
    e_pad = _NW * chunk
    posx = positions[:, 0]
    posy = positions[:, 1]
    posz = positions[:, 2]

    ne = emb_table.shape[0]
    td_dim = emb_table.shape[1]
    hid = W1.shape[0]
    a_d = emb_table @ W1[:, :td_dim].T + b1
    b_s = emb_table @ W1[:, td_dim:2 * td_dim].T
    w18 = jnp.concatenate([W1[:, 2 * td_dim:], a_d.T, b_s.T], axis=1)
    eye8 = jnp.eye(8, dtype=jnp.float32)
    w1k = jnp.kron(w18, eye8)
    w2k = jnp.kron(W2, eye8)
    b2k = jnp.repeat(b2, 8).reshape(8 * hid, 1)
    w3k = jnp.kron(W3, eye8)

    b3c = b3.reshape(1, 1)
    r2p, prp = _sc_edge_gather(posx, posy, posz, type_indices, edge_index,
                               e_pad, ne)
    out = _tc_energy(r2p, prp, w1k, w2k, b2k, w3k, b3c, n_edges, ne)
    return out[0, 0]

# --- scband reference (transcript-rebuilt; emitter-appended) ---
"""Pipeline reference for scband-two-body-nn-67001489817863 (READ-ONLY COPY).

The authoritative reference and input builder live on the scoring server;
editing this copy changes nothing except your own understanding.
"""

import jax, jax.numpy as jnp
import numpy as np

CUTOFF = 0.09
BMAX = 10
P = 6
N_ATOMS = 10000
NUM_ELEMENTS = 4
TYPE_DIM = 8
HIDDEN = 16


def _radius_graph_np(pos, r):
    N = pos.shape[0]
    srcs, dsts = [], []
    chunk = 512
    for start in range(0, N, chunk):
        d = np.linalg.norm(pos[start:start + chunk, None, :] - pos[None, :, :], axis=-1)
        ii, jj = np.nonzero(d < r)
        ii = ii + start
        keep = ii != jj
        srcs.append(jj[keep])
        dsts.append(ii[keep])
    return np.stack([np.concatenate(srcs), np.concatenate(dsts)]).astype(np.int32)


def _dist_embed(r):
    # Bessel radial basis with polynomial cutoff envelope (p=6), bmax=10
    n = jnp.arange(1, BMAX + 1, dtype=jnp.float32)
    x = r / CUTOFF  # [E, 1]
    bessel = jnp.sqrt(2.0 / CUTOFF) * jnp.sin(n * jnp.pi * x) / jnp.maximum(r, 1e-12)
    p = float(P)
    env = 1.0 - ((p + 1.0) * (p + 2.0) / 2.0) * x ** p + p * (p + 2.0) * x ** (p + 1.0) - (p * (p + 1.0) / 2.0) * x ** (p + 2.0)
    env = jnp.where(x < 1.0, env, 0.0)
    return bessel * env


def setup_inputs(seed: int = 0) -> dict:
    rng = np.random.default_rng(0)
    pos = rng.random((N_ATOMS, 3)).astype(np.float32)
    type_indices = rng.integers(0, NUM_ELEMENTS, size=N_ATOMS).astype(np.int32)
    edge_index = _radius_graph_np(pos, CUTOFF)
    key = jax.random.key(seed)
    ks = jax.random.split(key, 4)
    in_dim = 2 * TYPE_DIM + BMAX
    emb_table = jax.random.normal(ks[0], (NUM_ELEMENTS, TYPE_DIM), dtype=jnp.float32)
    W1 = jax.random.normal(ks[1], (HIDDEN, in_dim), dtype=jnp.float32) * (1.0 / np.sqrt(in_dim))
    b1 = jnp.zeros((HIDDEN,), dtype=jnp.float32)
    W2 = jax.random.normal(ks[2], (HIDDEN, HIDDEN), dtype=jnp.float32) * (1.0 / np.sqrt(HIDDEN))
    b2 = jnp.zeros((HIDDEN,), dtype=jnp.float32)
    W3 = jax.random.normal(ks[3], (1, HIDDEN), dtype=jnp.float32) * (1.0 / np.sqrt(HIDDEN))
    b3 = jnp.zeros((1,), dtype=jnp.float32)
    return {
        'positions': jnp.asarray(pos),
        'type_indices': jnp.asarray(type_indices),
        'edge_index': jnp.asarray(edge_index),
        'emb_table': emb_table,
        'W1': W1, 'b1': b1, 'W2': W2, 'b2': b2, 'W3': W3, 'b3': b3,
    }


def reference(positions, type_indices, edge_index, emb_table, W1, b1, W2, b2, W3, b3):
    edge_src = edge_index[0]
    edge_dest = edge_index[1]
    edge_vec = positions[edge_dest] - positions[edge_src]
    edge_length = jnp.linalg.norm(edge_vec, axis=-1)[:, None]
    type_embed = emb_table[type_indices]
    dist_embed = _dist_embed(edge_length)
    edge_features = jnp.concatenate([type_embed[edge_dest], type_embed[edge_src], dist_embed], axis=-1)
    h = jax.nn.silu(edge_features @ W1.T + b1)
    h = jax.nn.silu(h @ W2.T + b2)
    pair_energies = (h @ W3.T + b3)[:, 0]
    total_energy = 0.5 * jnp.sum(pair_energies, axis=0)
    return total_energy

if __name__ == "__main__":
    import jax
    _d = setup_inputs()
    print(jax.jit(kernel)(*tuple(_d.values())))

</pallas_src>

<mosaic_0001>
#map = affine_map<(d0, d1) -> (0)>
#map1 = affine_map<(d0, d1) -> (0, 0)>
module attributes {stable_mosaic.version = 14 : i64} {
  func.func @body(%arg0: i32, %arg1: i32, %arg2: memref<10000xf32, #tpu.memory_space<hbm>>, %arg3: memref<10000xf32, #tpu.memory_space<hbm>>, %arg4: memref<10000xf32, #tpu.memory_space<hbm>>, %arg5: memref<10000xi32, #tpu.memory_space<hbm>>, %arg6: memref<2x276036xi32, #tpu.memory_space<hbm>>, %arg7: memref<8x34816xf32, #tpu.memory_space<hbm>>, %arg8: memref<8x34816xi32, #tpu.memory_space<hbm>>, %arg9: memref<10000xf32, #tpu.memory_space<vmem>>, %arg10: memref<10000xf32, #tpu.memory_space<vmem>>, %arg11: memref<10000xf32, #tpu.memory_space<vmem>>, %arg12: memref<10000xi32, #tpu.memory_space<vmem>>, %arg13: memref<2x8704xi32, #tpu.memory_space<vmem>>, %arg14: memref<8704xf32, #tpu.memory_space<vmem>>, %arg15: memref<8704xi32, #tpu.memory_space<vmem>>, %arg16: memref<!tpu.dma_semaphore, #tpu.memory_space<semaphore_mem>>) attributes {dimension_semantics = [#tpu.dimension_semantics<core_parallel>, #tpu.dimension_semantics<subcore_parallel>], iteration_bounds = array<i64: 2, 16>, scalar_prefetch = 0 : i64, scratch_operands = 8 : i64, tpu.core_type = #tpu.core_type<sc_vector_subcore>, window_params = [{transform_indices = #map}, {transform_indices = #map}, {transform_indices = #map}, {transform_indices = #map}, {transform_indices = #map1}, {transform_indices = #map1}, {transform_indices = #map1}]} {
    %mul3A = arith.constant 16 : i32
    %mul3A_0 = arith.muli %arg0, %mul3A : i32
    %add3A = arith.addi %mul3A_0, %arg1 : i32
    %mul3A_1 = arith.constant 8704 : i32
    %mul3A_2 = arith.muli %add3A, %mul3A_1 : i32
    %min3A = arith.constant 267392 : i32
    %min3A_3 = arith.minsi %mul3A_2, %min3A : i32
    %jit3A = arith.constant 34816 : i32
    %div3A = arith.divsi %min3A_3, %jit3A : i32
    %sign3A = arith.constant 0 : i32
    %sign3A_4 = arith.cmpi sgt, %min3A_3, %sign3A : i32
    %sign3A_5 = arith.extui %sign3A_4 : i1 to i32
    %sign3A_6 = arith.constant 0 : i32
    %sign3A_7 = arith.cmpi slt, %min3A_3, %sign3A_6 : i32
    %sign3A_8 = arith.extui %sign3A_7 : i1 to i32
    %sign3A_9 = arith.subi %sign3A_5, %sign3A_8 : i32
    %sign3A_10 = arith.constant 0 : i32
    %sign3A_11 = arith.cmpi sgt, %jit3A, %sign3A_10 : i32
    %sign3A_12 = arith.extui %sign3A_11 : i1 to i32
    %sign3A_13 = arith.constant 0 : i32
    %sign3A_14 = arith.cmpi slt, %jit3A, %sign3A_13 : i32
    %sign3A_15 = arith.extui %sign3A_14 : i1 to i32
    %sign3A_16 = arith.subi %sign3A_12, %sign3A_15 : i32
    %ne3A = arith.cmpi ne, %sign3A_9, %sign3A_16 : i32
    %rem3A = arith.remsi %min3A_3, %jit3A : i32
    %ne3A_17 = arith.constant 0 : i32
    %ne3A_18 = arith.cmpi ne, %rem3A, %ne3A_17 : i32
    %and3A = arith.andi %ne3A, %ne3A_18 : i1
    %sub3A = arith.constant 1 : i32
    %sub3A_19 = arith.subi %div3A, %sub3A : i32
    %select_n3A = arith.select %and3A, %sub3A_19, %div3A : i32
    %mul3A_20 = arith.constant 34816 : i32
    %mul3A_21 = arith.muli %select_n3A, %mul3A_20 : i32
    %sub3A_22 = arith.subi %min3A_3, %mul3A_21 : i32
    tpu.enqueue_dma source(%arg2 : memref<10000xf32, #tpu.memory_space<hbm>>) target(%arg9 : memref<10000xf32, #tpu.memory_space<vmem>>) target_semaphore(%arg16 : memref<!tpu.dma_semaphore, #tpu.memory_space<semaphore_mem>>)
    tpu.enqueue_dma source(%arg3 : memref<10000xf32, #tpu.memory_space<hbm>>) target(%arg10 : memref<10000xf32, #tpu.memory_space<vmem>>) target_semaphore(%arg16 : memref<!tpu.dma_semaphore, #tpu.memory_space<semaphore_mem>>)
    tpu.enqueue_dma source(%arg4 : memref<10000xf32, #tpu.memory_space<hbm>>) target(%arg11 : memref<10000xf32, #tpu.memory_space<vmem>>) target_semaphore(%arg16 : memref<!tpu.dma_semaphore, #tpu.memory_space<semaphore_mem>>)
    tpu.enqueue_dma source(%arg5 : memref<10000xi32, #tpu.memory_space<hbm>>) target(%arg12 : memref<10000xi32, #tpu.memory_space<vmem>>) target_semaphore(%arg16 : memref<!tpu.dma_semaphore, #tpu.memory_space<semaphore_mem>>)
    %dma_start3A = arith.constant 0 : i32
    %dma_start3A_23 = tpu.memref_slice %arg6[%dma_start3A, %min3A_3] : memref<2x276036xi32, #tpu.memory_space<hbm>> -> memref<2x8704xi32, #tpu.memory_space<hbm>>
    %dma_start3A_24 = arith.constant 0 : i32
    %dma_start3A_25 = tpu.memref_slice %arg6[%dma_start3A_24, %min3A_3] : memref<2x276036xi32, #tpu.memory_space<hbm>> -> memref<2x8704xi32, #tpu.memory_space<hbm>>
    tpu.enqueue_dma source(%dma_start3A_25 : memref<2x8704xi32, #tpu.memory_space<hbm>>) target(%arg13 : memref<2x8704xi32, #tpu.memory_space<vmem>>) target_semaphore(%arg16 : memref<!tpu.dma_semaphore, #tpu.memory_space<semaphore_mem>>)
    tpu.wait_dma2 semaphore(%arg16 : memref<!tpu.dma_semaphore, #tpu.memory_space<semaphore_mem>>) src(%arg2 : memref<10000xf32, #tpu.memory_space<hbm>>) dst(%arg9 : memref<10000xf32, #tpu.memory_space<vmem>>)
    tpu.wait_dma2 semaphore(%arg16 : memref<!tpu.dma_semaphore, #tpu.memory_space<semaphore_mem>>) src(%arg3 : memref<10000xf32, #tpu.memory_space<hbm>>) dst(%arg10 : memref<10000xf32, #tpu.memory_space<vmem>>)
    tpu.wait_dma2 semaphore(%arg16 : memref<!tpu.dma_semaphore, #tpu.memory_space<semaphore_mem>>) src(%arg4 : memref<10000xf32, #tpu.memory_space<hbm>>) dst(%arg11 : memref<10000xf32, #tpu.memory_space<vmem>>)
    tpu.wait_dma2 semaphore(%arg16 : memref<!tpu.dma_semaphore, #tpu.memory_space<semaphore_mem>>) src(%arg5 : memref<10000xi32, #tpu.memory_space<hbm>>) dst(%arg12 : memref<10000xi32, #tpu.memory_space<vmem>>)
    %dma_wait3A = arith.constant 0 : i32
    %dma_wait3A_26 = tpu.memref_slice %arg6[%dma_wait3A, %min3A_3] : memref<2x276036xi32, #tpu.memory_space<hbm>> -> memref<2x8704xi32, #tpu.memory_space<hbm>>
    %dma_wait3A_27 = arith.constant 0 : i32
    %dma_wait3A_28 = tpu.memref_slice %arg6[%dma_wait3A_27, %min3A_3] : memref<2x276036xi32, #tpu.memory_space<hbm>> -> memref<2x8704xi32, #tpu.memory_space<hbm>>
    tpu.wait_dma2 semaphore(%arg16 : memref<!tpu.dma_semaphore, #tpu.memory_space<semaphore_mem>>) src(%dma_wait3A_28 : memref<2x8704xi32, #tpu.memory_space<hbm>>) dst(%arg13 : memref<2x8704xi32, #tpu.memory_space<vmem>>)
    %mul3A_29 = arith.constant 8704 : i32
    %mul3A_30 = arith.muli %add3A, %mul3A_29 : i32
    %ge3A = arith.constant 267392 : i32
    %ge3A_31 = arith.cmpi sge, %mul3A_30, %ge3A : i32
    %convert_element_type3A = arith.extui %ge3A_31 : i1 to i32
    %cond3A = arith.constant 0 : i32
    %cond3A_32 = arith.cmpi ne, %convert_element_type3A, %cond3A : i32
    scf.if %cond3A_32 {
      %iota3A = tpu.iota {dimensions = array<i32: 0>} : vector<16xi32>
      %lt3A = arith.constant 4 : i32
      %lt3A_35 = vector.broadcast %lt3A : i32 to vector<16xi32>
      %lt3A_36 = arith.cmpi slt, %iota3A, %lt3A_35 : vector<16xi32>
      %get3A = arith.constant 0 : i32
      %get3A_37 = arith.index_cast %get3A : i32 to index
      %get3A_38 = arith.constant 8640 : index
      %get3A_39 = tpu.vector_load %arg13[%get3A_37, %get3A_38] {strides = array<i32>} : memref<2x8704xi32, #tpu.memory_space<vmem>>, vector<16xi32>,
      %jit3A_40 = arith.constant 0 : i32
      %broadcast_in_dim3A = vector.broadcast %jit3A_40 : i32 to vector<16xi32>
      %select_n3A_41 = arith.select %lt3A_36, %get3A_39, %broadcast_in_dim3A : vector<16xi1>, vector<16xi32>
      %swap3A = arith.constant 0 : i32
      %swap3A_42 = arith.index_cast %swap3A : i32 to index
      %swap3A_43 = arith.constant 8640 : index
      %swap3A_44 = tpu.vector_load %arg13[%swap3A_42, %swap3A_43] {strides = array<i32>} : memref<2x8704xi32, #tpu.memory_space<vmem>>, vector<16xi32>,
      tpu.vector_store %arg13[%swap3A_42, %swap3A_43], %select_n3A_41 {strides = array<i32>} : memref<2x8704xi32, #tpu.memory_space<vmem>>, vector<16xi32>,
      %get3A_45 = arith.constant 1 : i32
      %get3A_46 = arith.index_cast %get3A_45 : i32 to index
      %get3A_47 = arith.constant 8640 : index
      %get3A_48 = tpu.vector_load %arg13[%get3A_46, %get3A_47] {strides = array<i32>} : memref<2x8704xi32, #tpu.memory_space<vmem>>, vector<16xi32>,
      %jit3A_49 = arith.constant 0 : i32
      %broadcast_in_dim3A_50 = vector.broadcast %jit3A_49 : i32 to vector<16xi32>
      %select_n3A_51 = arith.select %lt3A_36, %get3A_48, %broadcast_in_dim3A_50 : vector<16xi1>, vector<16xi32>
      %swap3A_52 = arith.constant 1 : i32
      %swap3A_53 = arith.index_cast %swap3A_52 : i32 to index
      %swap3A_54 = arith.constant 8640 : index
      %swap3A_55 = tpu.vector_load %arg13[%swap3A_53, %swap3A_54] {strides = array<i32>} : memref<2x8704xi32, #tpu.memory_space<vmem>>, vector<16xi32>,
      tpu.vector_store %arg13[%swap3A_53, %swap3A_54], %select_n3A_51 {strides = array<i32>} : memref<2x8704xi32, #tpu.memory_space<vmem>>, vector<16xi32>,
      %lt3A_56 = arith.constant 0 : i32
      %lt3A_57 = vector.broadcast %lt3A_56 : i32 to vector<16xi32>
      %lt3A_58 = arith.cmpi slt, %iota3A, %lt3A_57 : vector<16xi32>
      %get3A_59 = arith.constant 0 : i32
      %get3A_60 = arith.index_cast %get3A_59 : i32 to index
      %get3A_61 = arith.constant 8656 : index
      %get3A_62 = tpu.vector_load %arg13[%get3A_60, %get3A_61] {strides = array<i32>} : memref<2x8704xi32, #tpu.memory_space<vmem>>, vector<16xi32>,
      %jit3A_63 = arith.constant 0 : i32
      %broadcast_in_dim3A_64 = vector.broadcast %jit3A_63 : i32 to vector<16xi32>
      %select_n3A_65 = arith.select %lt3A_58, %get3A_62, %broadcast_in_dim3A_64 : vector<16xi1>, vector<16xi32>
      %swap3A_66 = arith.constant 0 : i32
      %swap3A_67 = arith.index_cast %swap3A_66 : i32 to index
      %swap3A_68 = arith.constant 8656 : index
      %swap3A_69 = tpu.vector_load %arg13[%swap3A_67, %swap3A_68] {strides = array<i32>} : memref<2x8704xi32, #tpu.memory_space<vmem>>, vector<16xi32>,
      tpu.vector_store %arg13[%swap3A_67, %swap3A_68], %select_n3A_65 {strides = array<i32>} : memref<2x8704xi32, #tpu.memory_space<vmem>>, vector<16xi32>,
      %get3A_70 = arith.constant 1 : i32
      %get3A_71 = arith.index_cast %get3A_70 : i32 to index
      %get3A_72 = arith.constant 8656 : index
      %get3A_73 = tpu.vector_load %arg13[%get3A_71, %get3A_72] {strides = array<i32>} : memref<2x8704xi32, #tpu.memory_space<vmem>>, vector<16xi32>,
      %jit3A_74 = arith.constant 0 : i32
      %broadcast_in_dim3A_75 = vector.broadcast %jit3A_74 : i32 to vector<16xi32>
      %select_n3A_76 = arith.select %lt3A_58, %get3A_73, %broadcast_in_dim3A_75 : vector<16xi1>, vector<16xi32>
      %swap3A_77 = arith.constant 1 : i32
      %swap3A_78 = arith.index_cast %swap3A_77 : i32 to index
      %swap3A_79 = arith.constant 8656 : index
      %swap3A_80 = tpu.vector_load %arg13[%swap3A_78, %swap3A_79] {strides = array<i32>} : memref<2x8704xi32, #tpu.memory_space<vmem>>, vector<16xi32>,
      tpu.vector_store %arg13[%swap3A_78, %swap3A_79], %select_n3A_76 {strides = array<i32>} : memref<2x8704xi32, #tpu.memory_space<vmem>>, vector<16xi32>,
      %lt3A_81 = arith.constant 0 : i32
      %lt3A_82 = vector.broadcast %lt3A_81 : i32 to vector<16xi32>
      %lt3A_83 = arith.cmpi slt, %iota3A, %lt3A_82 : vector<16xi32>
      %get3A_84 = arith.constant 0 : i32
      %get3A_85 = arith.index_cast %get3A_84 : i32 to index
      %get3A_86 = arith.constant 8672 : index
      %get3A_87 = tpu.vector_load %arg13[%get3A_85, %get3A_86] {strides = array<i32>} : memref<2x8704xi32, #tpu.memory_space<vmem>>, vector<16xi32>,
      %jit3A_88 = arith.constant 0 : i32
      %broadcast_in_dim3A_89 = vector.broadcast %jit3A_88 : i32 to vector<16xi32>
      %select_n3A_90 = arith.select %lt3A_83, %get3A_87, %broadcast_in_dim3A_89 : vector<16xi1>, vector<16xi32>
      %swap3A_91 = arith.constant 0 : i32
      %swap3A_92 = arith.index_cast %swap3A_91 : i32 to index
      %swap3A_93 = arith.constant 8672 : index
      %swap3A_94 = tpu.vector_load %arg13[%swap3A_92, %swap3A_93] {strides = array<i32>} : memref<2x8704xi32, #tpu.memory_space<vmem>>, vector<16xi32>,
      tpu.vector_store %arg13[%swap3A_92, %swap3A_93], %select_n3A_90 {strides = array<i32>} : memref<2x8704xi32, #tpu.memory_space<vmem>>, vector<16xi32>,
      %get3A_95 = arith.constant 1 : i32
      %get3A_96 = arith.index_cast %get3A_95 : i32 to index
      %get3A_97 = arith.constant 8672 : index
      %get3A_98 = tpu.vector_load %arg13[%get3A_96, %get3A_97] {strides = array<i32>} : memref<2x8704xi32, #tpu.memory_space<vmem>>, vector<16xi32>,
      %jit3A_99 = arith.constant 0 : i32
      %broadcast_in_dim3A_100 = vector.broadcast %jit3A_99 : i32 to vector<16xi32>
      %select_n3A_101 = arith.select %lt3A_83, %get3A_98, %broadcast_in_dim3A_100 : vector<16xi1>, vector<16xi32>
      %swap3A_102 = arith.constant 1 : i32
      %swap3A_103 = arith.index_cast %swap3A_102 : i32 to index
      %swap3A_104 = arith.constant 8672 : index
      %swap3A_105 = tpu.vector_load %arg13[%swap3A_103, %swap3A_104] {strides = array<i32>} : memref<2x8704xi32, #tpu.memory_space<vmem>>, vector<16xi32>,
      tpu.vector_store %arg13[%swap3A_103, %swap3A_104], %select_n3A_101 {strides = array<i32>} : memref<2x8704xi32, #tpu.memory_space<vmem>>, vector<16xi32>,
      %lt3A_106 = arith.constant 0 : i32
      %lt3A_107 = vector.broadcast %lt3A_106 : i32 to vector<16xi32>
      %lt3A_108 = arith.cmpi slt, %iota3A, %lt3A_107 : vector<16xi32>
      %get3A_109 = arith.constant 0 : i32
      %get3A_110 = arith.index_cast %get3A_109 : i32 to index
      %get3A_111 = arith.constant 8688 : index
      %get3A_112 = tpu.vector_load %arg13[%get3A_110, %get3A_111] {strides = array<i32>} : memref<2x8704xi32, #tpu.memory_space<vmem>>, vector<16xi32>,
      %jit3A_113 = arith.constant 0 : i32
      %broadcast_in_dim3A_114 = vector.broadcast %jit3A_113 : i32 to vector<16xi32>
      %select_n3A_115 = arith.select %lt3A_108, %get3A_112, %broadcast_in_dim3A_114 : vector<16xi1>, vector<16xi32>
      %swap3A_116 = arith.constant 0 : i32
      %swap3A_117 = arith.index_cast %swap3A_116 : i32 to index
      %swap3A_118 = arith.constant 8688 : index
      %swap3A_119 = tpu.vector_load %arg13[%swap3A_117, %swap3A_118] {strides = array<i32>} : memref<2x8704xi32, #tpu.memory_space<vmem>>, vector<16xi32>,
      tpu.vector_store %arg13[%swap3A_117, %swap3A_118], %select_n3A_115 {strides = array<i32>} : memref<2x8704xi32, #tpu.memory_space<vmem>>, vector<16xi32>,
      %get3A_120 = arith.constant 1 : i32
      %get3A_121 = arith.index_cast %get3A_120 : i32 to index
      %get3A_122 = arith.constant 8688 : index
      %get3A_123 = tpu.vector_load %arg13[%get3A_121, %get3A_122] {strides = array<i32>} : memref<2x8704xi32, #tpu.memory_space<vmem>>, vector<16xi32>,
      %jit3A_124 = arith.constant 0 : i32
      %broadcast_in_dim3A_125 = vector.broadcast %jit3A_124 : i32 to vector<16xi32>
      %select_n3A_126 = arith.select %lt3A_108, %get3A_123, %broadcast_in_dim3A_125 : vector<16xi1>, vector<16xi32>
      %swap3A_127 = arith.constant 1 : i32
      %swap3A_128 = arith.index_cast %swap3A_127 : i32 to index
      %swap3A_129 = arith.constant 8688 : index
      %swap3A_130 = tpu.vector_load %arg13[%swap3A_128, %swap3A_129] {strides = array<i32>} : memref<2x8704xi32, #tpu.memory_space<vmem>>, vector<16xi32>,
      tpu.vector_store %arg13[%swap3A_128, %swap3A_129], %select_n3A_126 {strides = array<i32>} : memref<2x8704xi32, #tpu.memory_space<vmem>>, vector<16xi32>,
    } else {
    }
    %parallel_loop3A = arith.constant 0 : i32
    %parallel_loop3A_33 = arith.constant 544 : i32
    %parallel_loop3A_34 = arith.constant 1 : i32
    scf.for %parallel_loop3A_35 = %parallel_loop3A to %parallel_loop3A_33 step %parallel_loop3A_34  : i32 {
      %parallel_loop3A_36 = arith.constant 16 : i32
      %parallel_loop3A_37 = arith.muli %parallel_loop3A_35, %parallel_loop3A_36 : i32
      %parallel_loop3A_38 = arith.constant 0 : i32
      %parallel_loop3A_39 = arith.index_cast %parallel_loop3A_38 : i32 to index
      %parallel_loop3A_40 = arith.index_cast %parallel_loop3A_37 : i32 to index
      %parallel_loop3A_41 = tpu.vector_load %arg13[%parallel_loop3A_39, %parallel_loop3A_40] {strides = array<i32>} : memref<2x8704xi32, #tpu.memory_space<vmem>>, vector<16xi32>,
      %parallel_loop3A_42 = arith.constant 1 : i32
      %parallel_loop3A_43 = arith.index_cast %parallel_loop3A_42 : i32 to index
      %parallel_loop3A_44 = arith.index_cast %parallel_loop3A_37 : i32 to index
      %parallel_loop3A_45 = tpu.vector_load %arg13[%parallel_loop3A_43, %parallel_loop3A_44] {strides = array<i32>} : memref<2x8704xi32, #tpu.memory_space<vmem>>, vector<16xi32>,
      %parallel_loop3A_46 = tpu.vector_load_idx %arg9[%parallel_loop3A_41] : memref<10000xf32, #tpu.memory_space<vmem>>[vector<16xi32>], vector<16xf32>,
      %parallel_loop3A_47 = tpu.vector_load_idx %arg9[%parallel_loop3A_45] : memref<10000xf32, #tpu.memory_space<vmem>>[vector<16xi32>], vector<16xf32>,
      %parallel_loop3A_48 = tpu.vector_load_idx %arg10[%parallel_loop3A_41] : memref<10000xf32, #tpu.memory_space<vmem>>[vector<16xi32>], vector<16xf32>,
      %parallel_loop3A_49 = tpu.vector_load_idx %arg10[%parallel_loop3A_45] : memref<10000xf32, #tpu.memory_space<vmem>>[vector<16xi32>], vector<16xf32>,
      %parallel_loop3A_50 = tpu.vector_load_idx %arg11[%parallel_loop3A_41] : memref<10000xf32, #tpu.memory_space<vmem>>[vector<16xi32>], vector<16xf32>,
      %parallel_loop3A_51 = tpu.vector_load_idx %arg11[%parallel_loop3A_45] : memref<10000xf32, #tpu.memory_space<vmem>>[vector<16xi32>], vector<16xf32>,
      %parallel_loop3A_52 = tpu.vector_load_idx %arg12[%parallel_loop3A_41] : memref<10000xi32, #tpu.memory_space<vmem>>[vector<16xi32>], vector<16xi32>,
      %parallel_loop3A_53 = tpu.vector_load_idx %arg12[%parallel_loop3A_45] : memref<10000xi32, #tpu.memory_space<vmem>>[vector<16xi32>], vector<16xi32>,
      %parallel_loop3A_54 = arith.subf %parallel_loop3A_47, %parallel_loop3A_46 : vector<16xf32>
      %parallel_loop3A_55 = arith.subf %parallel_loop3A_49, %parallel_loop3A_48 : vector<16xf32>
      %parallel_loop3A_56 = arith.subf %parallel_loop3A_51, %parallel_loop3A_50 : vector<16xf32>
      %parallel_loop3A_57 = arith.mulf %parallel_loop3A_54, %parallel_loop3A_54 : vector<16xf32>
      %parallel_loop3A_58 = arith.mulf %parallel_loop3A_55, %parallel_loop3A_55 : vector<16xf32>
      %parallel_loop3A_59 = arith.addf %parallel_loop3A_57, %parallel_loop3A_58 : vector<16xf32>
      %parallel_loop3A_60 = arith.mulf %parallel_loop3A_56, %parallel_loop3A_56 : vector<16xf32>
      %parallel_loop3A_61 = arith.addf %parallel_loop3A_59, %parallel_loop3A_60 : vector<16xf32>
      %parallel_loop3A_62 = arith.index_cast %parallel_loop3A_37 : i32 to index
      %parallel_loop3A_63 = tpu.vector_load %arg14[%parallel_loop3A_62] {strides = array<i32>} : memref<8704xf32, #tpu.memory_space<vmem>>, vector<16xf32>,
      tpu.vector_store %arg14[%parallel_loop3A_62], %parallel_loop3A_61 {strides = array<i32>} : memref<8704xf32, #tpu.memory_space<vmem>>, vector<16xf32>,
      %parallel_loop3A_64 = arith.constant 4 : i32
      %parallel_loop3A_65 = vector.broadcast %parallel_loop3A_64 : i32 to vector<16xi32>
      %parallel_loop3A_66 = arith.muli %parallel_loop3A_53, %parallel_loop3A_65 : vector<16xi32>
      %parallel_loop3A_67 = arith.addi %parallel_loop3A_66, %parallel_loop3A_52 : vector<16xi32>
      %parallel_loop3A_68 = arith.index_cast %parallel_loop3A_37 : i32 to index
      %parallel_loop3A_69 = tpu.vector_load %arg15[%parallel_loop3A_68] {strides = array<i32>} : memref<8704xi32, #tpu.memory_space<vmem>>, vector<16xi32>,
      tpu.vector_store %arg15[%parallel_loop3A_68], %parallel_loop3A_67 {strides = array<i32>} : memref<8704xi32, #tpu.memory_space<vmem>>, vector<16xi32>,
    } {sc.loop_unroll_factor = 8 : i64, sc.parallel_access}
    "tpu.region"() ({
      %run_scoped3A = tpu.sem_alloc : memref<!tpu.dma_semaphore, #tpu.memory_space<semaphore_mem>>
      %dma_start3A_35 = tpu.memref_slice %arg7[%select_n3A, %sub3A_22] : memref<8x34816xf32, #tpu.memory_space<hbm>> -> memref<1x8704xf32, #tpu.memory_space<hbm>>
      %dma_start3A_36 = tpu.memref_squeeze %dma_start3A_35 : memref<1x8704xf32, #tpu.memory_space<hbm>> -> memref<8704xf32, #tpu.memory_space<hbm>>
      %dma_start3A_37 = tpu.memref_slice %arg7[%select_n3A, %sub3A_22] : memref<8x34816xf32, #tpu.memory_space<hbm>> -> memref<1x8704xf32, #tpu.memory_space<hbm>>
      %dma_start3A_38 = tpu.memref_squeeze %dma_start3A_37 : memref<1x8704xf32, #tpu.memory_space<hbm>> -> memref<8704xf32, #tpu.memory_space<hbm>>
      tpu.enqueue_dma source(%arg14 : memref<8704xf32, #tpu.memory_space<vmem>>) target(%dma_start3A_38 : memref<8704xf32, #tpu.memory_space<hbm>>) target_semaphore(%run_scoped3A : memref<!tpu.dma_semaphore, #tpu.memory_space<semaphore_mem>>)
      %dma_wait3A_39 = tpu.memref_slice %arg7[%select_n3A, %sub3A_22] : memref<8x34816xf32, #tpu.memory_space<hbm>> -> memref<1x8704xf32, #tpu.memory_space<hbm>>
      %dma_wait3A_40 = tpu.memref_squeeze %dma_wait3A_39 : memref<1x8704xf32, #tpu.memory_space<hbm>> -> memref<8704xf32, #tpu.memory_space<hbm>>
      %dma_wait3A_41 = tpu.memref_slice %arg7[%select_n3A, %sub3A_22] : memref<8x34816xf32, #tpu.memory_space<hbm>> -> memref<1x8704xf32, #tpu.memory_space<hbm>>
      %dma_wait3A_42 = tpu.memref_squeeze %dma_wait3A_41 : memref<1x8704xf32, #tpu.memory_space<hbm>> -> memref<8704xf32, #tpu.memory_space<hbm>>
      tpu.wait_dma2 semaphore(%run_scoped3A : memref<!tpu.dma_semaphore, #tpu.memory_space<semaphore_mem>>) src(%arg14 : memref<8704xf32, #tpu.memory_space<vmem>>) dst(%dma_wait3A_42 : memref<8704xf32, #tpu.memory_space<hbm>>)
      tpu.yield
    }) : () -> ()
    "tpu.region"() ({
      %run_scoped3A = tpu.sem_alloc : memref<!tpu.dma_semaphore, #tpu.memory_space<semaphore_mem>>
      %dma_start3A_35 = tpu.memref_slice %arg8[%select_n3A, %sub3A_22] : memref<8x34816xi32, #tpu.memory_space<hbm>> -> memref<1x8704xi32, #tpu.memory_space<hbm>>
      %dma_start3A_36 = tpu.memref_squeeze %dma_start3A_35 : memref<1x8704xi32, #tpu.memory_space<hbm>> -> memref<8704xi32, #tpu.memory_space<hbm>>
      %dma_start3A_37 = tpu.memref_slice %arg8[%select_n3A, %sub3A_22] : memref<8x34816xi32, #tpu.memory_space<hbm>> -> memref<1x8704xi32, #tpu.memory_space<hbm>>
      %dma_start3A_38 = tpu.memref_squeeze %dma_start3A_37 : memref<1x8704xi32, #tpu.memory_space<hbm>> -> memref<8704xi32, #tpu.memory_space<hbm>>
      tpu.enqueue_dma source(%arg15 : memref<8704xi32, #tpu.memory_space<vmem>>) target(%dma_start3A_38 : memref<8704xi32, #tpu.memory_space<hbm>>) target_semaphore(%run_scoped3A : memref<!tpu.dma_semaphore, #tpu.memory_space<semaphore_mem>>)
      %dma_wait3A_39 = tpu.memref_slice %arg8[%select_n3A, %sub3A_22] : memref<8x34816xi32, #tpu.memory_space<hbm>> -> memref<1x8704xi32, #tpu.memory_space<hbm>>
      %dma_wait3A_40 = tpu.memref_squeeze %dma_wait3A_39 : memref<1x8704xi32, #tpu.memory_space<hbm>> -> memref<8704xi32, #tpu.memory_space<hbm>>
      %dma_wait3A_41 = tpu.memref_slice %arg8[%select_n3A, %sub3A_22] : memref<8x34816xi32, #tpu.memory_space<hbm>> -> memref<1x8704xi32, #tpu.memory_space<hbm>>
      %dma_wait3A_42 = tpu.memref_squeeze %dma_wait3A_41 : memref<1x8704xi32, #tpu.memory_space<hbm>> -> memref<8704xi32, #tpu.memory_space<hbm>>
      tpu.wait_dma2 semaphore(%run_scoped3A : memref<!tpu.dma_semaphore, #tpu.memory_space<semaphore_mem>>) src(%arg15 : memref<8704xi32, #tpu.memory_space<vmem>>) dst(%dma_wait3A_42 : memref<8704xi32, #tpu.memory_space<hbm>>)
      tpu.yield
    }) : () -> ()
    return
  }
}

module attributes {stable_mosaic.version = 14 : i64} {
  func.func @body(%arg0: i32, %arg1: memref<8x4352xf32, #tpu.memory_space<vmem>>, %arg2: memref<8x4352xi32, #tpu.memory_space<vmem>>, %arg3: memref<128x144xf32, #tpu.memory_space<vmem>>, %arg4: memref<128x128xf32, #tpu.memory_space<vmem>>, %arg5: memref<128x1xf32, #tpu.memory_space<vmem>>, %arg6: memref<8x128xf32, #tpu.memory_space<vmem>>, %arg7: memref<1x1xf32, #tpu.memory_space<smem>>, %arg8: memref<1x1xf32, #tpu.memory_space<smem>>) attributes {dimension_semantics = [#tpu.dimension_semantics<arbitrary>], iteration_bounds = array<i64: 8>, scalar_prefetch = 0 : i64, scratch_operands = 0 : i64, tpu.core_type = #tpu.core_type<tc>, window_params = [{transform_indices = @transform_0, window_bounds = array<i64: 8, 4352>}, {transform_indices = @transform_1, window_bounds = array<i64: 8, 4352>}, {pipeline_mode = #tpu.pipeline_mode<synchronous>, transform_indices = @transform_2, window_bounds = array<i64: 128, 144>}, {pipeline_mode = #tpu.pipeline_mode<synchronous>, transform_indices = @transform_3, window_bounds = array<i64: 128, 128>}, {pipeline_mode = #tpu.pipeline_mode<synchronous>, transform_indices = @transform_4, window_bounds = array<i64: 128, 1>}, {pipeline_mode = #tpu.pipeline_mode<synchronous>, transform_indices = @transform_5, window_bounds = array<i64: 8, 128>}, {transform_indices = @transform_6, window_bounds = array<i64: 1, 1>}, {transform_indices = @transform_7, window_bounds = array<i64: 1, 1>}]} {
    %eq3A = arith.constant 0 : i32
    %eq3A_0 = arith.cmpi eq, %arg0, %eq3A : i32
    %convert_element_type3A = arith.extui %eq3A_0 : i1 to i32
    %cond3A = arith.constant 0 : i32
    %cond3A_1 = arith.cmpi ne, %convert_element_type3A, %cond3A : i32
    scf.if %cond3A_1 {
      %swap3A_194 = arith.constant 0.000000e+00 : f32
      %swap3A_195 = arith.constant 0 : index
      %swap3A_196 = arith.constant 0 : index
      %swap3A_197 = memref.load %arg8[%swap3A_195, %swap3A_196] : memref<1x1xf32, #tpu.memory_space<smem>>
      memref.store %swap3A_194, %arg8[%swap3A_195, %swap3A_196] : memref<1x1xf32, #tpu.memory_space<smem>>
    } else {
    }
    %get3A = arith.constant 0 : index
    %get3A_2 = arith.constant 0 : index
    %get3A_3 = vector.load %arg1[%get3A, %get3A_2] : memref<8x4352xf32, #tpu.memory_space<vmem>>, vector<8x4352xf32>
    %get3A_4 = arith.constant 0 : index
    %get3A_5 = arith.constant 0 : index
    %get3A_6 = vector.load %arg2[%get3A_4, %get3A_5] : memref<8x4352xi32, #tpu.memory_space<vmem>>, vector<8x4352xi32>
    %sqrt3A = math.sqrt %get3A_3 : vector<8x4352xf32>
    %mul3A = arith.constant 11.1111107 : f32
    %mul3A_7 = vector.broadcast %mul3A : f32 to vector<8x4352xf32>
    %mul3A_8 = arith.mulf %sqrt3A, %mul3A_7 : vector<8x4352xf32>
    %mul3A_9 = arith.mulf %mul3A_8, %mul3A_8 : vector<8x4352xf32>
    %mul3A_10 = arith.mulf %mul3A_9, %mul3A_8 : vector<8x4352xf32>
    %mul3A_11 = arith.mulf %mul3A_10, %mul3A_10 : vector<8x4352xf32>
    %mul3A_12 = arith.mulf %mul3A_11, %mul3A_8 : vector<8x4352xf32>
    %mul3A_13 = arith.mulf %mul3A_12, %mul3A_8 : vector<8x4352xf32>
    %mul3A_14 = arith.constant 2.800000e+01 : f32
    %mul3A_15 = vector.broadcast %mul3A_14 : f32 to vector<8x4352xf32>
    %mul3A_16 = arith.mulf %mul3A_15, %mul3A_11 : vector<8x4352xf32>
    %sub3A = arith.constant 1.000000e+00 : f32
    %sub3A_17 = vector.broadcast %sub3A : f32 to vector<8x4352xf32>
    %sub3A_18 = arith.subf %sub3A_17, %mul3A_16 : vector<8x4352xf32>
    %mul3A_19 = arith.constant 4.800000e+01 : f32
    %mul3A_20 = vector.broadcast %mul3A_19 : f32 to vector<8x4352xf32>
    %mul3A_21 = arith.mulf %mul3A_20, %mul3A_12 : vector<8x4352xf32>
    %add3A = arith.addf %sub3A_18, %mul3A_21 : vector<8x4352xf32>
    %mul3A_22 = arith.constant 2.100000e+01 : f32
    %mul3A_23 = vector.broadcast %mul3A_22 : f32 to vector<8x4352xf32>
    %mul3A_24 = arith.mulf %mul3A_23, %mul3A_13 : vector<8x4352xf32>
    %sub3A_25 = arith.subf %add3A, %mul3A_24 : vector<8x4352xf32>
    %lt3A = arith.constant 1.000000e+00 : f32
    %lt3A_26 = vector.broadcast %lt3A : f32 to vector<8x4352xf32>
    %lt3A_27 = arith.cmpf olt, %mul3A_8, %lt3A_26 : vector<8x4352xf32>
    %jit3A = arith.constant 0.000000e+00 : f32
    %broadcast_in_dim3A = vector.broadcast %jit3A : f32 to vector<8x4352xf32>
    %select_n3A = arith.select %lt3A_27, %sub3A_25, %broadcast_in_dim3A : vector<8x4352xi1>, vector<8x4352xf32>
    %sqrt3A_28 = arith.constant 22.2222214 : f32
    %sqrt3A_29 = math.sqrt %sqrt3A_28 : f32
    %mul3A_30 = vector.broadcast %sqrt3A_29 : f32 to vector<8x4352xf32>
    %mul3A_31 = arith.mulf %mul3A_30, %select_n3A : vector<8x4352xf32>
    %max3A = arith.constant 9.99999996E-13 : f32
    %max3A_32 = vector.broadcast %max3A : f32 to vector<8x4352xf32>
    %max3A_33 = arith.maximumf %sqrt3A, %max3A_32 : vector<8x4352xf32>
    %div3A = arith.divf %mul3A_31, %max3A_33 : vector<8x4352xf32>
    %mul3A_34 = arith.constant 3.14159274 : f32
    %mul3A_35 = vector.broadcast %mul3A_34 : f32 to vector<8x4352xf32>
    %mul3A_36 = arith.mulf %mul3A_35, %mul3A_8 : vector<8x4352xf32>
    %cos3A = math.cos %mul3A_36 : vector<8x4352xf32>
    %add3A_37 = arith.addf %cos3A, %cos3A : vector<8x4352xf32>
    %sin3A = math.sin %mul3A_36 : vector<8x4352xf32>
    %mul3A_38 = arith.mulf %sin3A, %div3A : vector<8x4352xf32>
    %broadcast_in_dim3A_39 = arith.constant 0.000000e+00 : f32
    %broadcast_in_dim3A_40 = vector.broadcast %broadcast_in_dim3A_39 : f32 to vector<8x4352xf32>
    %mul3A_41 = arith.mulf %add3A_37, %mul3A_38 : vector<8x4352xf32>
    %sub3A_42 = arith.subf %mul3A_41, %broadcast_in_dim3A_40 : vector<8x4352xf32>
    %mul3A_43 = arith.mulf %add3A_37, %sub3A_42 : vector<8x4352xf32>
    %sub3A_44 = arith.subf %mul3A_43, %mul3A_38 : vector<8x4352xf32>
    %mul3A_45 = arith.mulf %add3A_37, %sub3A_44 : vector<8x4352xf32>
    %sub3A_46 = arith.subf %mul3A_45, %sub3A_42 : vector<8x4352xf32>
    %mul3A_47 = arith.mulf %add3A_37, %sub3A_46 : vector<8x4352xf32>
    %sub3A_48 = arith.subf %mul3A_47, %sub3A_44 : vector<8x4352xf32>
    %mul3A_49 = arith.mulf %add3A_37, %sub3A_48 : vector<8x4352xf32>
    %sub3A_50 = arith.subf %mul3A_49, %sub3A_46 : vector<8x4352xf32>
    %mul3A_51 = arith.mulf %add3A_37, %sub3A_50 : vector<8x4352xf32>
    %sub3A_52 = arith.subf %mul3A_51, %sub3A_48 : vector<8x4352xf32>
    %mul3A_53 = arith.mulf %add3A_37, %sub3A_52 : vector<8x4352xf32>
    %sub3A_54 = arith.subf %mul3A_53, %sub3A_50 : vector<8x4352xf32>
    %mul3A_55 = arith.mulf %add3A_37, %sub3A_54 : vector<8x4352xf32>
    %sub3A_56 = arith.subf %mul3A_55, %sub3A_52 : vector<8x4352xf32>
    %mul3A_57 = arith.mulf %add3A_37, %sub3A_56 : vector<8x4352xf32>
    %sub3A_58 = arith.subf %mul3A_57, %sub3A_54 : vector<8x4352xf32>
    %jit3A_59 = arith.constant 4 : i32
    %div3A_60 = vector.broadcast %jit3A_59 : i32 to vector<8x4352xi32>
    %div3A_61 = arith.divsi %get3A_6, %div3A_60 : vector<8x4352xi32>
    %sign3A = arith.constant 0 : i32
    %sign3A_62 = vector.broadcast %sign3A : i32 to vector<8x4352xi32>
    %sign3A_63 = arith.cmpi sgt, %get3A_6, %sign3A_62 : vector<8x4352xi32>
    %sign3A_64 = arith.extui %sign3A_63 : vector<8x4352xi1> to vector<8x4352xi32>
    %sign3A_65 = arith.constant 0 : i32
    %sign3A_66 = vector.broadcast %sign3A_65 : i32 to vector<8x4352xi32>
    %sign3A_67 = arith.cmpi slt, %get3A_6, %sign3A_66 : vector<8x4352xi32>
    %sign3A_68 = arith.extui %sign3A_67 : vector<8x4352xi1> to vector<8x4352xi32>
    %sign3A_69 = arith.subi %sign3A_64, %sign3A_68 : vector<8x4352xi32>
    %sign3A_70 = arith.constant 0 : i32
    %sign3A_71 = arith.cmpi sgt, %jit3A_59, %sign3A_70 : i32
    %sign3A_72 = arith.extui %sign3A_71 : i1 to i32
    %sign3A_73 = arith.constant 0 : i32
    %sign3A_74 = arith.cmpi slt, %jit3A_59, %sign3A_73 : i32
    %sign3A_75 = arith.extui %sign3A_74 : i1 to i32
    %sign3A_76 = arith.subi %sign3A_72, %sign3A_75 : i32
    %ne3A = vector.broadcast %sign3A_76 : i32 to vector<8x4352xi32>
    %ne3A_77 = arith.cmpi ne, %sign3A_69, %ne3A : vector<8x4352xi32>
    %rem3A = vector.broadcast %jit3A_59 : i32 to vector<8x4352xi32>
    %rem3A_78 = arith.remsi %get3A_6, %rem3A : vector<8x4352xi32>
    %ne3A_79 = arith.constant 0 : i32
    %ne3A_80 = vector.broadcast %ne3A_79 : i32 to vector<8x4352xi32>
    %ne3A_81 = arith.cmpi ne, %rem3A_78, %ne3A_80 : vector<8x4352xi32>
    %and3A = arith.andi %ne3A_77, %ne3A_81 : vector<8x4352xi1>
    %sub3A_82 = arith.constant 1 : i32
    %sub3A_83 = vector.broadcast %sub3A_82 : i32 to vector<8x4352xi32>
    %sub3A_84 = arith.subi %div3A_61, %sub3A_83 : vector<8x4352xi32>
    %select_n3A_85 = arith.select %and3A, %sub3A_84, %div3A_61 : vector<8x4352xi1>, vector<8x4352xi32>
    %mul3A_86 = arith.constant 4 : i32
    %mul3A_87 = vector.broadcast %mul3A_86 : i32 to vector<8x4352xi32>
    %mul3A_88 = arith.muli %select_n3A_85, %mul3A_87 : vector<8x4352xi32>
    %sub3A_89 = arith.subi %get3A_6, %mul3A_88 : vector<8x4352xi32>
    %eq3A_90 = arith.constant 0 : i32
    %eq3A_91 = vector.broadcast %eq3A_90 : i32 to vector<8x4352xi32>
    %eq3A_92 = arith.cmpi eq, %select_n3A_85, %eq3A_91 : vector<8x4352xi32>
    %convert_element_type3A_93 = arith.extui %eq3A_92 : vector<8x4352xi1> to vector<8x4352xi32>
    %convert_element_type3A_94 = arith.sitofp %convert_element_type3A_93 : vector<8x4352xi32> to vector<8x4352xf32>
    %eq3A_95 = arith.constant 1 : i32
    %eq3A_96 = vector.broadcast %eq3A_95 : i32 to vector<8x4352xi32>
    %eq3A_97 = arith.cmpi eq, %select_n3A_85, %eq3A_96 : vector<8x4352xi32>
    %convert_element_type3A_98 = arith.extui %eq3A_97 : vector<8x4352xi1> to vector<8x4352xi32>
    %convert_element_type3A_99 = arith.sitofp %convert_element_type3A_98 : vector<8x4352xi32> to vector<8x4352xf32>
    %eq3A_100 = arith.constant 2 : i32
    %eq3A_101 = vector.broadcast %eq3A_100 : i32 to vector<8x4352xi32>
    %eq3A_102 = arith.cmpi eq, %select_n3A_85, %eq3A_101 : vector<8x4352xi32>
    %convert_element_type3A_103 = arith.extui %eq3A_102 : vector<8x4352xi1> to vector<8x4352xi32>
    %convert_element_type3A_104 = arith.sitofp %convert_element_type3A_103 : vector<8x4352xi32> to vector<8x4352xf32>
    %eq3A_105 = arith.constant 3 : i32
    %eq3A_106 = vector.broadcast %eq3A_105 : i32 to vector<8x4352xi32>
    %eq3A_107 = arith.cmpi eq, %select_n3A_85, %eq3A_106 : vector<8x4352xi32>
    %convert_element_type3A_108 = arith.extui %eq3A_107 : vector<8x4352xi1> to vector<8x4352xi32>
    %convert_element_type3A_109 = arith.sitofp %convert_element_type3A_108 : vector<8x4352xi32> to vector<8x4352xf32>
    %eq3A_110 = arith.constant 0 : i32
    %eq3A_111 = vector.broadcast %eq3A_110 : i32 to vector<8x4352xi32>
    %eq3A_112 = arith.cmpi eq, %sub3A_89, %eq3A_111 : vector<8x4352xi32>
    %convert_element_type3A_113 = arith.extui %eq3A_112 : vector<8x4352xi1> to vector<8x4352xi32>
    %convert_element_type3A_114 = arith.sitofp %convert_element_type3A_113 : vector<8x4352xi32> to vector<8x4352xf32>
    %eq3A_115 = arith.constant 1 : i32
    %eq3A_116 = vector.broadcast %eq3A_115 : i32 to vector<8x4352xi32>
    %eq3A_117 = arith.cmpi eq, %sub3A_89, %eq3A_116 : vector<8x4352xi32>
    %convert_element_type3A_118 = arith.extui %eq3A_117 : vector<8x4352xi1> to vector<8x4352xi32>
    %convert_element_type3A_119 = arith.sitofp %convert_element_type3A_118 : vector<8x4352xi32> to vector<8x4352xf32>
    %eq3A_120 = arith.constant 2 : i32
    %eq3A_121 = vector.broadcast %eq3A_120 : i32 to vector<8x4352xi32>
    %eq3A_122 = arith.cmpi eq, %sub3A_89, %eq3A_121 : vector<8x4352xi32>
    %convert_element_type3A_123 = arith.extui %eq3A_122 : vector<8x4352xi1> to vector<8x4352xi32>
    %convert_element_type3A_124 = arith.sitofp %convert_element_type3A_123 : vector<8x4352xi32> to vector<8x4352xf32>
    %eq3A_125 = arith.constant 3 : i32
    %eq3A_126 = vector.broadcast %eq3A_125 : i32 to vector<8x4352xi32>
    %eq3A_127 = arith.cmpi eq, %sub3A_89, %eq3A_126 : vector<8x4352xi32>
    %convert_element_type3A_128 = arith.extui %eq3A_127 : vector<8x4352xi1> to vector<8x4352xi32>
    %convert_element_type3A_129 = arith.sitofp %convert_element_type3A_128 : vector<8x4352xi32> to vector<8x4352xf32>
    %concatenate3A = tpu.concatenate %mul3A_38, %sub3A_42, %sub3A_44, %sub3A_46, %sub3A_48, %sub3A_50, %sub3A_52, %sub3A_54, %sub3A_56, %sub3A_58, %convert_element_type3A_94, %convert_element_type3A_99, %convert_element_type3A_104, %convert_element_type3A_109, %convert_element_type3A_114, %convert_element_type3A_119, %convert_element_type3A_124, %convert_element_type3A_129 in 0 : vector<8x4352xf32>, vector<8x4352xf32>, vector<8x4352xf32>, vector<8x4352xf32>, vector<8x4352xf32>, vector<8x4352xf32>, vector<8x4352xf32>, vector<8x4352xf32>, vector<8x4352xf32>, vector<8x4352xf32>, vector<8x4352xf32>, vector<8x4352xf32>, vector<8x4352xf32>, vector<8x4352xf32>, vector<8x4352xf32>, vector<8x4352xf32>, vector<8x4352xf32>, vector<8x4352xf32> -> vector<144x4352xf32>
    %get3A_130 = arith.constant 0 : index
    %get3A_131 = arith.constant 0 : index
    %get3A_132 = vector.load %arg3[%get3A_130, %get3A_131] : memref<128x144xf32, #tpu.memory_space<vmem>>, vector<128x144xf32>
    %dot_general3A = arith.constant dense<0.000000e+00> : vector<128x4352xf32>
    %dot_general3A_133 = tpu.matmul %get3A_132, %concatenate3A, %dot_general3A {dimension_numbers = #tpu.dot_dimension_numbers<[1], [0], [0], [1], [0, 0, 1, 1], [], []>, transpose_lhs_hint = false} : vector<128x144xf32>, vector<144x4352xf32>, vector<128x4352xf32> -> vector<128x4352xf32>
    %logistic3A = arith.negf %dot_general3A_133 : vector<128x4352xf32>
    %logistic3A_134 = math.exp %logistic3A : vector<128x4352xf32>
    %logistic3A_135 = arith.constant 1.000000e+00 : f32
    %logistic3A_136 = vector.broadcast %logistic3A_135 : f32 to vector<128x4352xf32>
    %logistic3A_137 = arith.addf %logistic3A_136, %logistic3A_134 : vector<128x4352xf32>
    %logistic3A_138 = arith.divf %logistic3A_136, %logistic3A_137 : vector<128x4352xf32>
    %mul3A_139 = arith.mulf %dot_general3A_133, %logistic3A_138 : vector<128x4352xf32>
    %get3A_140 = arith.constant 0 : index
    %get3A_141 = arith.constant 0 : index
    %get3A_142 = vector.load %arg4[%get3A_140, %get3A_141] : memref<128x128xf32, #tpu.memory_space<vmem>>, vector<128x128xf32>
    %dot_general3A_143 = arith.constant dense<0.000000e+00> : vector<128x4352xf32>
    %dot_general3A_144 = tpu.matmul %get3A_142, %mul3A_139, %dot_general3A_143 {dimension_numbers = #tpu.dot_dimension_numbers<[1], [0], [0], [1], [0, 0, 1, 1], [], []>, transpose_lhs_hint = false} : vector<128x128xf32>, vector<128x4352xf32>, vector<128x4352xf32> -> vector<128x4352xf32>
    %get3A_145 = arith.constant 0 : index
    %get3A_146 = arith.constant 0 : index
    %get3A_147 = vector.load %arg5[%get3A_145, %get3A_146] : memref<128x1xf32, #tpu.memory_space<vmem>>, vector<128x1xf32>
    %add3A_148 = vector.broadcast %get3A_147 : vector<128x1xf32> to vector<128x4352xf32>
    %add3A_149 = arith.addf %dot_general3A_144, %add3A_148 : vector<128x4352xf32>
    %logistic3A_150 = arith.negf %add3A_149 : vector<128x4352xf32>
    %logistic3A_151 = math.exp %logistic3A_150 : vector<128x4352xf32>
    %logistic3A_152 = arith.constant 1.000000e+00 : f32
    %logistic3A_153 = vector.broadcast %logistic3A_152 : f32 to vector<128x4352xf32>
    %logistic3A_154 = arith.addf %logistic3A_153, %logistic3A_151 : vector<128x4352xf32>
    %logistic3A_155 = arith.divf %logistic3A_153, %logistic3A_154 : vector<128x4352xf32>
    %mul3A_156 = arith.mulf %add3A_149, %logistic3A_155 : vector<128x4352xf32>
    %get3A_157 = arith.constant 0 : index
    %get3A_158 = arith.constant 0 : index
    %get3A_159 = vector.load %arg6[%get3A_157, %get3A_158] : memref<8x128xf32, #tpu.memory_space<vmem>>, vector<8x128xf32>
    %dot_general3A_160 = arith.constant dense<0.000000e+00> : vector<8x4352xf32>
    %dot_general3A_161 = tpu.matmul %get3A_159, %mul3A_156, %dot_general3A_160 {dimension_numbers = #tpu.dot_dimension_numbers<[1], [0], [0], [1], [0, 0, 1, 1], [], []>, transpose_lhs_hint = false} : vector<8x128xf32>, vector<128x4352xf32>, vector<8x4352xf32> -> vector<8x4352xf32>
    %iota3A = tpu.iota {dimensions = array<i32: 0>} : vector<8x4352xi32>
    %mul3A_162 = arith.constant 34816 : i32
    %mul3A_163 = vector.broadcast %mul3A_162 : i32 to vector<8x4352xi32>
    %mul3A_164 = arith.muli %iota3A, %mul3A_163 : vector<8x4352xi32>
    %iota3A_165 = tpu.iota {dimensions = array<i32: 1>} : vector<8x4352xi32>
    %mul3A_166 = arith.constant 4352 : i32
    %mul3A_167 = arith.muli %arg0, %mul3A_166 : i32
    %add3A_168 = vector.broadcast %mul3A_167 : i32 to vector<8x4352xi32>
    %add3A_169 = arith.addi %mul3A_164, %add3A_168 : vector<8x4352xi32>
    %add3A_170 = arith.addi %add3A_169, %iota3A_165 : vector<8x4352xi32>
    %lt3A_171 = arith.constant 276036 : i32
    %lt3A_172 = vector.broadcast %lt3A_171 : i32 to vector<8x4352xi32>
    %lt3A_173 = arith.cmpi slt, %add3A_170, %lt3A_172 : vector<8x4352xi32>
    %get3A_174 = arith.constant 0 : index
    %get3A_175 = arith.constant 0 : index
    %get3A_176 = memref.load %arg7[%get3A_174, %get3A_175] : memref<1x1xf32, #tpu.memory_space<smem>>
    %add3A_177 = vector.broadcast %get3A_176 : f32 to vector<8x4352xf32>
    %add3A_178 = arith.addf %dot_general3A_161, %add3A_177 : vector<8x4352xf32>
    %jit3A_179 = arith.constant 0.000000e+00 : f32
    %broadcast_in_dim3A_180 = vector.broadcast %jit3A_179 : f32 to vector<8x4352xf32>
    %select_n3A_181 = arith.select %lt3A_173, %add3A_178, %broadcast_in_dim3A_180 : vector<8x4352xi1>, vector<8x4352xf32>
    %get3A_182 = arith.constant 0 : index
    %get3A_183 = arith.constant 0 : index
    %get3A_184 = memref.load %arg8[%get3A_182, %get3A_183] : memref<1x1xf32, #tpu.memory_space<smem>>
    %reduce_sum3A = vector.shape_cast %select_n3A_181 : vector<8x4352xf32> to vector<1x8x4352xf32>
    %reduce_sum3A_185 = arith.constant dense<0.000000e+00> : vector<1xf32>
    %reduce_sum3A_186 = vector.multi_reduction <add>, %reduce_sum3A, %reduce_sum3A_185 [1, 2] : vector<1x8x4352xf32> to vector<1xf32>
    %reduce_sum3A_187 = vector.shape_cast %reduce_sum3A_186 : vector<1xf32> to vector<1x1x1xf32>
    %reduce_sum3A_188 = vector.extract %reduce_sum3A_187[0, 0, 0] : f32 from vector<1x1x1xf32>
    %mul3A_189 = arith.constant 5.000000e-01 : f32
    %mul3A_190 = arith.mulf %mul3A_189, %reduce_sum3A_188 : f32
    %add3A_191 = arith.addf %get3A_184, %mul3A_190 : f32
    %swap3A = arith.constant 0 : index
    %swap3A_192 = arith.constant 0 : index
    %swap3A_193 = memref.load %arg8[%swap3A, %swap3A_192] : memref<1x1xf32, #tpu.memory_space<smem>>
    memref.store %add3A_191, %arg8[%swap3A, %swap3A_192] : memref<1x1xf32, #tpu.memory_space<smem>>
    return
  }
  func.func @transform_0(%arg0: i32) -> (i32, i32) {
    %c0_i32 = arith.constant 0 : i32
    %c0_i32_0 = arith.constant 0 : i32
    return %c0_i32, %arg0 : i32, i32
  }
  func.func @transform_1(%arg0: i32) -> (i32, i32) {
    %c0_i32 = arith.constant 0 : i32
    %c0_i32_0 = arith.constant 0 : i32
    return %c0_i32, %arg0 : i32, i32
  }
  func.func @transform_2(%arg0: i32) -> (i32, i32) {
    %c0_i32 = arith.constant 0 : i32
    %c0_i32_0 = arith.constant 0 : i32
    %c0_i32_1 = arith.constant 0 : i32
    return %c0_i32, %c0_i32_0 : i32, i32
  }
  func.func @transform_3(%arg0: i32) -> (i32, i32) {
    %c0_i32 = arith.constant 0 : i32
    %c0_i32_0 = arith.constant 0 : i32
    %c0_i32_1 = arith.constant 0 : i32
    return %c0_i32, %c0_i32_0 : i32, i32
  }
  func.func @transform_4(%arg0: i32) -> (i32, i32) {
    %c0_i32 = arith.constant 0 : i32
    %c0_i32_0 = arith.constant 0 : i32
    %c0_i32_1 = arith.constant 0 : i32
    return %c0_i32, %c0_i32_0 : i32, i32
  }
  func.func @transform_5(%arg0: i32) -> (i32, i32) {
    %c0_i32 = arith.constant 0 : i32
    %c0_i32_0 = arith.constant 0 : i32
    %c0_i32_1 = arith.constant 0 : i32
    return %c0_i32, %c0_i32_0 : i32, i32
  }
  func.func @transform_6(%arg0: i32) -> (i32, i32) {
    %c0_i32 = arith.constant 0 : i32
    %c0_i32_0 = arith.constant 0 : i32
    %c0_i32_1 = arith.constant 0 : i32
    return %c0_i32, %c0_i32_0 : i32, i32
  }
  func.func @transform_7(%arg0: i32) -> (i32, i32) {
    %c0_i32 = arith.constant 0 : i32
    %c0_i32_0 = arith.constant 0 : i32
    %c0_i32_1 = arith.constant 0 : i32
    return %c0_i32, %c0_i32_0 : i32, i32
  }
}

</mosaic_0001>

<sc_bundles>
// kernel: kernel.4.cloned.1.call-start
scs
__scs_entry_jumppad:
0x0: {  	(pc) =	sbr.rel $0x88, $3  }
0x1: {  	(tag) =	ssettag $0x0;
	lr =	simm.s32 $0x1  }
0x2: {  	[smem:$0x3F97] =	sst lr;
	_ =	strace $0xD0000000  }
0x3: {  	_ = 	snop  }
0x4: {  	_ = 	snop  }
0x5: {  	_ = 	snop  }
0x6: {  	_ = 	snop  }
0x7: {  	_ = 	snop  }
__scs_overlays_trampoline_lowered:
0x8: {  	[smem:$0x3FA6] =	sst s0  }
0x9: {  	[smem:$0x3FA7] =	sst s1  }
0xa: {  	[smem:$0x3FA8] =	sst s2  }
0xb: {  	[smem:$0x3FA9] =	sst s3  }
0xc: {  	[smem:$0x3FAA] =	sst s4  }
0xd: {  	[smem:$0x3FAB] =	sst s5  }
0xe: {  	[smem:$0x3FAC] =	sst s6  }
0xf: {  	[smem:$0x3FAD] =	sst s7  }
0x10: {  	[smem:$0x3FAE] =	sst s8  }
0x11: {  	[smem:$0x3FAF] =	sst s9;
	s0 =	simm.s32 @!p0 $0x0  }
0x12: {  	s1 =	sld [smem:$0x3F95];
	s0 =	simm.s32 @p0 $0x1  }
0x13: {  	[smem:$0x3FB0] =	sst s0;
	s0 =	simm.s32 @!p1 $0x0  }
0x14: {  	s2 =	sld [smem:$0x3F94];
	s0 =	simm.s32 @p1 $0x1  }
0x15: {  	[smem:$0x3FB1] =	sst s0;
	s0 =	simm.s32 @!p2 $0x0  }
0x16: {  	s3 =	sld [smem:$0x3FDB];
	s0 =	simm.s32 @p2 $0x1  }
0x17: {  	s4 =	simm.s32 $0x1BF5;
	[smem:$0x3FB3] =	sst s0  }
0x18: {  	s0 =	sld [smem:$0x3F96];
	_ =	swait.ge [sflag:s4], $0x0  }
0x19: {  	s7 =	sld [smem:$0x3F97]  }
0x1a: {  	s8 =	sadd.s32 $0xFFFFE003, lr  }
0x1b: {  	s9 =	sadd.s32 $0xFFFFFEF7, lr;
	s5 =	simm.s32 $0xFFFFFFFF;
	p2 =	slt.u32 s8, $0xFFFFF086  }
0x1c: {  	p1 =	slt.u32 s9, $0xF7A;
	s5 =	simm.s32 @!p2 $0x0  }
0x1d: {  	s5 =	simm.s32 @p1 $0x1;
	p0 =	seq.s32 s7, s2  }
0x1e: {  	s7 =	smul.u32 @!p0 $0xF7A, s2;
	p2 =	seq.s32 @!p0 s5, $0x0  }
0x1f: {  	s9 =	smul.u32 $0xF7A, s1;
	s8 =	simm.s32 @!p0 $0x1BF5;
	p2 =	por !p2, p0  }
0x20: {  	[sflag:s8] =	ssyncset.s32 @!p0 $0xFFFFF086;
	s6 =	sadd.s32 @!p0 s3, s7;
	s7 =	simm.s32 @!p0 $0x108  }
0x21: {  	s3 =	sadd.s32 s3, s9;
	s6 =	sadd.s32 @!p0 $0x88, s6;
	s7 =	simm.s32 @p2 $0x1082  }
0x22: {  	[simem:s7], [sflag:s8] =	dma.local @!p0 [hbm:s6], $0xF7A  }
0x23: {  	s9 =	sor.u32 $0xD0000000, s2;
	s6 =	simm.s32 $0x108;
	_ =	swait.ge @!p0 [sflag:s8], $0x0  }
0x24: {  	s3 =	sadd.s32 $0x88, s3;
	s6 =	simm.s32 @!p1 $0x1082;
	[sflag:s4] =	ssyncset.s32 $0xFFFFF086  }
0x25: {  	[simem:s6], [sflag:s4] =	dma.local [hbm:s3], $0xF7A  }
0x26: {  	[smem:$0x3F97] =	sst s1;
	(tag) =	ssettag s2;
	_ =	strace s9  }
0x27: {  	s1 =	sld [smem:$0x3FA7]  }
0x28: {  	s2 =	sld [smem:$0x3FA8]  }
0x29: {  	s4 =	sld [smem:$0x3FAA]  }
0x2a: {  	p0 =	seq.s32 s5, $0x0;
	s5 =	sld [smem:$0x3FAB]  }
0x2b: {  	s6 =	sld [smem:$0x3FAC]  }
0x2c: {  	s7 =	sld [smem:$0x3FAD]  }
0x2d: {  	s3 =	simm.s32 $0x108;
	s8 =	sld [smem:$0x3FAE]  }
0x2e: {  	s3 =	simm.s32 @!p0 $0x1082;
	s9 =	sld [smem:$0x3FAF]  }
0x2f: {  	lr =	sadd.s32 s0, s3;
	s0 =	sld [smem:$0x3FA6]  }
0x30: {  	s3 =	sld [smem:$0x3FA9]  }
0x31: {  	[smem:$0x3FB2] =	sst s10  }
0x32: {  	s10 =	sld [smem:$0x3FB0];
	_ =	sdelay $0x3  }
0x33: {  	p0 =	seq.s32 s10, $0x1;
	s10 =	sld [smem:$0x3FB2];
	_ =	sdelay $0x3  }
0x34: {  	[smem:$0x3FB2] =	sst s10  }
0x35: {  	s10 =	sld [smem:$0x3FB1];
	_ =	sdelay $0x3  }
0x36: {  	p1 =	seq.s32 s10, $0x1;
	s10 =	sld [smem:$0x3FB2];
	_ =	sdelay $0x3  }
0x37: {  	[smem:$0x3FB2] =	sst s10  }
0x38: {  	s10 =	sld [smem:$0x3FB3]  }
0x39: {  	_ = 	snop;
	(pc) =	sbr.ind lr, $3  }
0x3a: {  	_ = 	snop  }
0x3b: {  	_ = 	snop  }
0x3c: {  	p2 =	seq.s32 s10, $0x1;
	s10 =	sld [smem:$0x3FB2]  }
0x3d: {  	_ =	shalt  }
0x3e: {  	_ =	shalt  }
0x3f: {  	_ =	shalt  }
0x40: {  	_ =	shalt  }
0x41: {  	_ =	shalt  }
0x42: {  	_ =	shalt  }
0x43: {  	_ =	shalt  }
0x44: {  	_ =	shalt  }
0x45: {  	_ =	shalt  }
0x46: {  	_ =	shalt  }
0x47: {  	_ =	shalt  }
0x48: {  	_ =	shalt  }
0x49: {  	_ =	shalt  }
0x4a: {  	_ =	shalt  }
0x4b: {  	_ =	shalt  }
0x4c: {  	_ =	shalt  }
0x4d: {  	_ =	shalt  }
0x4e: {  	_ =	shalt  }
0x4f: {  	_ =	shalt  }
0x50: {  	_ =	shalt  }
0x51: {  	_ =	shalt  }
0x52: {  	_ =	shalt  }
0x53: {  	_ =	shalt  }
0x54: {  	_ =	shalt  }
0x55: {  	_ =	shalt  }
0x56: {  	_ =	shalt  }
0x57: {  	_ =	shalt  }
0x58: {  	_ =	shalt  }
0x59: {  	_ =	shalt  }
0x5a: {  	_ =	shalt  }
0x5b: {  	_ =	shalt  }
0x5c: {  	_ =	shalt  }
0x5d: {  	_ =	shalt  }
0x5e: {  	_ =	shalt  }
0x5f: {  	_ =	shalt  }
0x60: {  	_ =	shalt  }
0x61: {  	_ =	shalt  }
0x62: {  	_ =	shalt  }
0x63: {  	_ =	shalt  }
0x64: {  	_ =	shalt  }
0x65: {  	_ =	shalt  }
0x66: {  	_ =	shalt  }
0x67: {  	_ =	shalt  }
0x68: {  	_ =	shalt  }
0x69: {  	_ =	shalt  }
0x6a: {  	_ =	shalt  }
0x6b: {  	_ =	shalt  }
0x6c: {  	_ =	shalt  }
0x6d: {  	_ =	shalt  }
0x6e: {  	_ =	shalt  }
0x6f: {  	_ =	shalt  }
0x70: {  	_ =	shalt  }
0x71: {  	_ =	shalt  }
0x72: {  	_ =	shalt  }
0x73: {  	_ =	shalt  }
0x74: {  	_ =	shalt  }
0x75: {  	_ =	shalt  }
0x76: {  	_ =	shalt  }
0x77: {  	_ =	shalt  }
0x78: {  	_ =	shalt  }
0x79: {  	_ =	shalt  }
0x7a: {  	_ =	shalt  }
0x7b: {  	_ =	shalt  }
0x7c: {  	_ =	shalt  }
0x7d: {  	_ =	shalt  }
0x7e: {  	_ =	shalt  }
0x7f: {  	_ =	shalt  }
0x80: {  	_ =	shalt  }
0x81: {  	_ =	shalt  }
0x82: {  	_ =	shalt  }
0x83: {  	_ =	shalt  }
0x84: {  	_ =	shalt  }
0x85: {  	_ =	shalt  }
0x86: {  	_ =	shalt  }
0x87: {  	_ =	shalt  }
.Lfunc_end0:
.L_simem_size_0:
called_computation_lowered:
.L_overlay_start_0:
0x88: {  	s2 =	sld [smem:$0x3FD9]  }
0x89: {  	s3 =	sld [smem:$0x3FFE];
	_ =	sdelay $0x1  }
0x8a: {  	s1 =	srdreg.scid  }
0x8b: {  	s0 =	sand.u32 $0x1, s1  }
0x8c: {  	s17 =	sshll.u32 s0, $0xA;
	s2 =	sadd.s32 s3, s2  }
0x8d: {  	s2 =	sadd.s32 s2, s17  }
0x8e: {  	[smem:$0x3FBE] =	sst s2  }
0x8f: {  	_ = 	snop  }
0x90: {  	s2 =	sld [smem:$0x3FC8]  }
0x91: {  	s18 =	sld [smem:$0x3FC7];
	(tm) =	ssettm $0x1  }
0x92: {  	s4 =	sld [smem:$0x3FFB];
	_ =	sdelay $0x3  }
0x93: {  	_ =	strace s4  }
0x94: {  	s4 =	sld [smem:$0x3FFC];
	_ =	sdelay $0x3  }
0x95: {  	_ =	strace s4  }
0x96: {  	s4 =	sld [smem:$0x3FFD];
	_ =	sdelay $0x3  }
0x97: {  	_ =	strace s4  }
0x98: {  	_ =	strace $0x8FFFFFFF  }
0x99: {  	s19 =	sld [smem:$0x3FDB];
	_ =	sdelay $0x1  }
0x9a: {  	s5 =	simm.s32 $_scs_section_size  }
0x9b: {  	s6 =	simm.s32 $_size__tile_overlayer_lowered;
	s7 =	simm.s32 $_tile_overlayer_lowered  }
0x9c: {  	s22 =	simm.s32 $0x1BFF;
	s21 =	sshll.u32 s7, $0x1;
	s4 =	sadd.s32 s5, s19  }
0x9d: {  	s8 =	simm.s32 $0x0;
	s20 =	sshll.u32 s6, $0x1;
	s6 =	sadd.s32 s21, s4  }
0x9e: {  	[timem:s8], [sflag:s22] =	dma.local [hbm:s6], s20  }
0x9f: {  	_ =	swait.ge [sflag:s22], s20  }
0xa0: {  	s5 =	ssub.s32 $0x0, s20;
	[sflag:s22] =	ssyncset.done $0x0  }
0xa1: {  	[sflag:s22] =	ssyncadd.s32 s5;
	_ =	sdelay $0x1  }
0xa2: {  	s23 =	simm.s32 $0x1B8B  }
0xa3: {  	_ =	swait.ge [sflag:s23], $0x1  }
0xa4: {  	[sflag:s23] =	ssyncset.done $0x0  }
0xa5: {  	s25 =	simm.s32 $0x1B8E;
	s24 =	sld [smem:$0x3FFE];
	[sflag:s23] =	ssyncadd.s32 $0xFFFFFFFF  }
0xa6: {  	s26 =	simm.s32 $execute0_lowered;
	[smem:$0x3FD2] =	sst s25  }
0xa7: {  	s6 =	sshll.u32 s26, $0x1;
	_ =	strace $0x80000046;
	[dreg:$0x1] =	wrdreg $0xFFFFFFFF  }
0xa8: {  	s28 =	simm.s32 $_size_execute0_lowered;
	s4 =	sadd.s32 s4, s6;
	[dreg:$0x0] =	wrdreg $0x0  }
0xa9: {  	s6 =	sshll.u32 s28, $0x1;
	[dreg:$0x2] =	wrdreg s4  }
0xaa: {  	[dreg:$0x3] =	wrdreg s6  }
0xab: {  	[dreg:$0x4] =	wrdreg $0xC0  }
0xac: {  	_ =	task [dreg:s8], $0x5FFFF  }
0xad: {  	[dreg:$0x1] =	wrdreg $0xFFFFFFFF  }
0xae: {  	[dreg:$0x0] =	wrdreg $0x60  }
0xaf: {  	[dreg:$0x2] =	wrdreg s24  }
0xb0: {  	[dreg:$0x3] =	wrdreg s2  }
0xb1: {  	[dreg:$0x4] =	wrdreg s18  }
0xb2: {  	[dreg:$0x5] =	wrdreg $0x9  }
0xb3: {  	_ =	task.clear_ibuf [dreg:s8], $0x6FFFF;
	_ =	strace $0x90000046  }
0xb4: {  	s29 =	simm.s32 $0x9;
	_ =	strace $0x80000048  }
0xb5: {  	_ =	swait.ge [sflag:s29], $0x1  }
0xb6: {  	[sflag:s29] =	ssyncadd.s32 $0xFFFFFFFF  }
0xb7: {  	_ =	strace $0x90000048  }
0xb8: {  	_ =	sfence  }
0xb9: {  	s30 =	sld [smem:$0x0];
	_ =	sdelay $0x2  }
0xba: {  	s31 =	sshll.u32 s1, $0xD;
	s1 =	sshrl.u32 s1, $0x2  }
0xbb: {  	s3 =	sand.u32 $0x4000, s31;
	s1 =	sadd.s32 s1, s30  }
0xbc: {  	s0 =	sor.u32 s3, s0;
	s1 =	sshll.u32 s1, $0x11  }
0xbd: {  	s0 =	sor.u32 s1, s0  }
0xbe: {  	s0 =	sadd.s32 $0x8F2B, s0  }
0xbf: {  	[sflag:s0] =	ssyncadd.remote.s32 $0x1  }
0xc0: {  	_ =	sfence.sel $0xFFFF  }
0xc1: {  	[dreg:$0x0] =	wrdreg $0xFFFFFFFF;
	(pc) =	sbr.abs _section_cstart, $3  }
0xc2: {  	[dreg:$0x1] =	wrdreg $0xFFFFFFFF  }
0xc3: {  	_ =	task.clear_ibuf [dreg:s8], $0x2FFFF;
	_ =	strace $0x9FFFFFFF  }
0xc4: {  	(tm) =	ssettm $0x7FFFFFFF  }
0xc5: {  	_ =	shalt  }
tec
execute0_lowered:
.L_overlay_start_1:
0x0: {  	(tag) =	ssettag $0x1  }
0x1: {  	s0 =	srdreg.scid  }
0x2: {  	s7 =	sand.u32 $0x1, s0  }
0x3: {  	s0 =	stileid.u32;
	s1 =	sshll.u32 s7, $0x4  }
0x4: {  	s12 =	sor.u32 s0, s1  }
0x5: {  	s1 =	smul.u32 $0x2200, s12;
	_ =	sdelay $0x1  }
0x6: {  	s8 =	smin.u32 s1, $0x41480  }
0x7: {  	s1 =	smul.u32 $0xF0F0F0F1, s8  }
0x8: {  	s9 =	rddreg [dreg:$0x0]  }
0x9: {  	s3 =	simm.s32 $0x1;
	s2 =	sshll.u32 s1, $0x15;
	s1 =	sshrl.u32 s1, $0xB  }
0xa: {  	s10 =	rddreg [dreg:$0x2];
	s15 =	simm.s32 $0x9E00;
	s1 =	sor.u32 s2, s1  }
0xb: {  	s16 =	simm.s32 $0x80;
	p0 =	seq.s32 s12, $0x0;
	p1 =	sgt.u32 s1, $0x1E1E1  }
0xc: {  	s17 =	simm.s32 $0x400;
	s18 =	simm.s32 $0xE200;
	p0 =	por !p0, !p1  }
0xd: {  	s19 =	simm.s32 $0x2;
	s30 =	smulhi.u32 $0x1E1E2, s8;
	p0 =	por !p0, !p0  }
0xe: {  	s20 =	simm.s32 $0x10400;
	s21 =	simm.s32 $0x0;
	s3 =	simm.s32 @!p0 $0x0  }
0xf: {  	s31 =	ssub.s32 $0x2, s7;
	s7 =	simm.s32 $0x1;
	s5 =	ssub.s32 s30, s3  }
0x10: {  	s14 =	sshrl.u32 s31, $0x1;
	s2 =	rddreg [dreg:$0x1];
	s4 =	smul.u32 $0x1FFF7800, s5  }
0x11: {  	s1 =	rddreg [dreg:$0x3];
	p0 =	sne.s32 s12, $0x1F;
	s6 =	sshrl.u32 s5, $0x3  }
0x12: {  	s12 =	simm.s32 $0x2780;
	s6 =	smul.u32 $0x44000, s6;
	s11 =	sadd.s32 s8, s4  }
0x13: {  	s3 =	simm.s32 $0x0;
	s13 =	sshll.u32 s5, $0x7;
	s11 =	sshll.u32 s11, $0x3  }
0x14: {  	[smem:$0x7FF] =	sst s3;
	s13 =	sand.u32 $0x380, s13;
	s11 =	sadd.s32 s6, s11  }
0x15: {  	s5 =	sadd.s32 $0x1000, s9;
	_ =	strace $0x80000047;
	s11 =	sor.u32 s13, s11  }
0x16: {  	s4 =	sadd.s32 $0x1600, s9;
	s8 =	sshrl.u32 s8, $0x2;
	s11 =	sshrl.u32 s11, $0x3  }
0x17: {  	s8 =	sadd.s32 s10, s8;
	s6 =	sadd.s32 $0xA00, s9;
	s11 =	sadd.s32 s11, s9  }
0x18: {  	s13 =	ssub.s32 s31, s14;
	s14 =	simm.s32 $0x7680;
	s9 =	sadd.s32 $0x1C00, s11  }
0x19: {  	vm0 =	vmmov @!p0 $0xf;
	s10 =	sadd.s32 $0xA400, s11;
	s11 =	smax.u32 s13, $0x1;
	s13 =	simm.s32 $0x4F00  }
.LBB2_1:
0x1a: {  	[tilespmem:s3], [sflag:$0x1] =	stream.linear.gather [hbm4b:s4+s3], $0x2780, $0x38;
	[tilespmem:$0x12600] =	vst v63  }
0x1b: {  	_ = 	snop  }
0x1c: {  	[tilespmem:s12], [sflag:$0x1] =	stream.linear.gather [hbm4b:s5+s3], $0x2780, $0x38;
	[tilespmem:$0x12600] =	vst v63  }
0x1d: {  	_ = 	snop  }
0x1e: {  	[tilespmem:s13], [sflag:$0x1] =	stream.linear.gather [hbm4b:s6+s3], $0x2780, $0x38;
	[tilespmem:$0x12600] =	vst v63  }
0x1f: {  	_ = 	snop  }
0x20: {  	[tilespmem:s14], [sflag:$0x1] =	stream.linear.gather [hbm4b:s2+s3], $0x2780, $0x38;
	[tilespmem:$0x12600] =	vst v63  }
0x21: {  	_ = 	snop  }
0x22: {  	[tilespmem:s15], [sflag:$0x1] =	stream.linear.gather [hbm4b:s8+s3], $0x4400, $0x38;
	[tilespmem:$0x12600] =	vst v63  }
0x23: {  	_ =	swait.ge [sflag:s7], $0x2780  }
0x24: {  	[sflag:s7] =	ssyncset.done $0x0  }
0x25: {  	[sflag:s7] =	ssyncadd.s32 $0xFFFFD880  }
0x26: {  	_ =	swait.ge [sflag:s7], $0x2780  }
0x27: {  	[sflag:s7] =	ssyncset.done $0x0  }
0x28: {  	[sflag:s7] =	ssyncadd.s32 $0xFFFFD880  }
0x29: {  	_ =	swait.ge [sflag:s7], $0x2780  }
0x2a: {  	[sflag:s7] =	ssyncset.done $0x0  }
0x2b: {  	[sflag:s7] =	ssyncadd.s32 $0xFFFFD880  }
0x2c: {  	_ =	swait.ge [sflag:s7], $0x2780  }
0x2d: {  	[sflag:s7] =	ssyncset.done $0x0  }
0x2e: {  	[sflag:s7] =	ssyncadd.s32 $0xFFFFD880  }
0x2f: {  	_ =	swait.ge [sflag:s7], $0x4400  }
0x30: {  	[sflag:s7] =	ssyncset.done $0x0  }
0x31: {  	[sflag:s7] =	ssyncadd.s32 $0xFFFFBC00  }
0x32: {  	v0 =	vld @!p0 [tilespmem:$0xE140]  }
0x33: {  	v1 =	vld @!p0 [tilespmem:$0xE1C0];
	_ =	sdelay $0x3  }
0x34: {  	v0 =	vnsel @!p0 vm0, $0x0, v0  }
0x35: {  	[tilespmem:$0xE140] =	vst @!p0 v0;
	v0 =	vnsel @!p0 vm0, $0x0, v1  }
0x36: {  	[tilespmem:$0xE1C0] =	vst @!p0 v0;
	v0 =	vimm.s32 @!p0 $0x0  }
0x37: {  	[tilespmem:$0xE150] =	vst @!p0 v0  }
0x38: {  	[tilespmem:$0xE1D0] =	vst @!p0 v0  }
0x39: {  	[tilespmem:$0xE160] =	vst @!p0 v0  }
0x3a: {  	[tilespmem:$0xE1E0] =	vst @!p0 v0  }
0x3b: {  	[tilespmem:$0xE170] =	vst @!p0 v0  }
0x3c: {  	s22 =	simm.s32 $0x9E80;
	[tilespmem:$0xE1F0] =	vst @!p0 v0  }
0x3d: {  	v1 =	vld [tilespmem:s22+$0xFFFFFFF0]  }
0x3e: {  	v6 =	vld [tilespmem:s22+$0x70]  }
0x3f: {  	v7 =	vld [tilespmem:s22+$0x0]  }
0x40: {  	v4 =	vld [tilespmem:s22+$0xFFFFFF90]  }
0x41: {  	v8 =	vld [tilespmem:s22+$0x10]  }
0x42: {  	v2 =	vld [tilespmem:s22+$0xFFFFFFA0]  }
0x43: {  	v9 =	vld [tilespmem:s22+$0x20]  }
0x44: {  	v0 =	vld [tilespmem:s22+$0xFFFFFFB0]  }
0x45: {  	v16 =	vld [tilespmem:s22+$0x30]  }
0x46: {  	v5 =	vld [tilespmem:s22+$0xFFFFFFC0]  }
0x47: {  	v17 =	vld [tilespmem:s22+$0x40]  }
0x48: {  	v3 =	vld [tilespmem:s22+$0xFFFFFFD0]  }
0x49: {  	v19 =	vld [tilespmem:s22+$0x50]  }
0x4a: {  	v20 =	vld [tilespmem:s22+$0x60]  }
0x4b: {  	v21 =	vld [tilespmem:s22+$0xFFFFFF80]  }
0x4c: {  	v10 =	vld.idx.msk [tilespmem:v1+s3+$0x0], $0xffff  }
0x4d: {  	v11 =	vld.idx.msk [tilespmem:v6+s3+$0x0], $0xffff  }
0x4e: {  	v12 =	vld.idx.msk [tilespmem:v1+s12+$0x0], $0xffff  }
0x4f: {  	v13 =	vld.idx.msk [tilespmem:v6+s12+$0x0], $0xffff  }
0x50: {  	v14 =	vld.idx.msk [tilespmem:v1+s13+$0x0], $0xffff  }
0x51: {  	v15 =	vld.idx.msk [tilespmem:v6+s13+$0x0], $0xffff  }
0x52: {  	v6 =	vld.idx.msk [tilespmem:v6+s14+$0x0], $0xffff  }
0x53: {  	v18 =	vld.idx.msk [tilespmem:v1+s14+$0x0], $0xffff  }
0x54: {  	v1 =	vld [tilespmem:s22+$0xFFFFFFE0]  }
0x55: {  	v22 =	vld.idx.msk [tilespmem:v7+s3+$0x0], $0xffff  }
0x56: {  	v23 =	vld.idx.msk [tilespmem:v7+s12+$0x0], $0xffff  }
0x57: {  	v24 =	vld.idx.msk [tilespmem:v4+s3+$0x0], $0xffff  }
0x58: {  	v25 =	vld.idx.msk [tilespmem:v8+s3+$0x0], $0xffff  }
0x59: {  	v26 =	vld.idx.msk [tilespmem:v4+s12+$0x0], $0xffff  }
0x5a: {  	v27 =	vld.idx.msk [tilespmem:v8+s12+$0x0], $0xffff  }
0x5b: {  	v28 =	vld.idx.msk [tilespmem:v2+s3+$0x0], $0xffff  }
0x5c: {  	v29 =	vld.idx.msk [tilespmem:v21+s3+$0x0], $0xffff  }
0x5d: {  	v30 =	vld.idx.msk [tilespmem:v21+s12+$0x0], $0xffff  }
0x5e: {  	v31 =	vld.idx.msk [tilespmem:v9+s3+$0x0], $0xffff  }
0x5f: {  	v32 =	vld.idx.msk [tilespmem:v2+s12+$0x0], $0xffff  }
0x60: {  	v33 =	vld.idx.msk [tilespmem:v9+s12+$0x0], $0xffff  }
0x61: {  	v34 =	vld.idx.msk [tilespmem:v0+s3+$0x0], $0xffff  }
0x62: {  	v35 =	vld.idx.msk [tilespmem:v16+s3+$0x0], $0xffff  }
0x63: {  	v36 =	vld.idx.msk [tilespmem:v0+s12+$0x0], $0xffff  }
0x64: {  	v37 =	vld.idx.msk [tilespmem:v16+s12+$0x0], $0xffff  }
0x65: {  	v38 =	vld.idx.msk [tilespmem:v5+s3+$0x0], $0xffff  }
0x66: {  	v39 =	vld.idx.msk [tilespmem:v17+s3+$0x0], $0xffff  }
0x67: {  	v40 =	vld.idx.msk [tilespmem:v5+s12+$0x0], $0xffff  }
0x68: {  	v41 =	vld.idx.msk [tilespmem:v17+s12+$0x0], $0xffff  }
0x69: {  	v42 =	vld.idx.msk [tilespmem:v3+s3+$0x0], $0xffff  }
0x6a: {  	v43 =	vld.idx.msk [tilespmem:v19+s3+$0x0], $0xffff  }
0x6b: {  	v44 =	vld.idx.msk [tilespmem:v3+s12+$0x0], $0xffff  }
0x6c: {  	v45 =	vld.idx.msk [tilespmem:v19+s12+$0x0], $0xffff  }
0x6d: {  	v47 =	vld.idx.msk [tilespmem:v20+s3+$0x0], $0xffff  }
0x6e: {  	v48 =	vld.idx.msk [tilespmem:v21+s13+$0x0], $0xffff  }
0x6f: {  	v49 =	vld.idx.msk [tilespmem:v7+s13+$0x0], $0xffff  }
0x70: {  	v61 =	vld.idx.msk [tilespmem:v17+s13+$0x0], $0xffff  }
0x71: {  	v62 =	vld.idx.msk [tilespmem:v3+s13+$0x0], $0xffff;
	v10 =	vsub.f32 v11, v10  }
0x72: {  	v50 =	vld.idx.msk [tilespmem:v19+s13+$0x0], $0xffff;
	v11 =	vsub.f32 v13, v12;
	v14 =	vsub.f32 v15, v14  }
0x73: {  	v19 =	vld.idx.msk [tilespmem:v19+s14+$0x0], $0xffff;
	v15 =	vsub.f32 v25, v24;
	v53 =	vsub.f32 v27, v26  }
0x74: {  	v13 =	vld.idx.msk [tilespmem:v20+s12+$0x0], $0xffff;
	v22 =	vsub.f32 v22, v29;
	v23 =	vsub.f32 v23, v30  }
0x75: {  	v25 =	vld.idx.msk [tilespmem:v8+s13+$0x0], $0xffff;
	v54 =	vsub.f32 v31, v28;
	v55 =	vsub.f32 v33, v32  }
0x76: {  	v26 =	vld.idx.msk [tilespmem:v2+s13+$0x0], $0xffff;
	v56 =	vsub.f32 v35, v34;
	v57 =	vsub.f32 v37, v36;
	v10 =	vmul.f32 v10, v10  }
0x77: {  	v29 =	vld.idx.msk [tilespmem:v9+s13+$0x0], $0xffff;
	v63 =	vsub.f32 v39, v38;
	v11 =	vmul.f32 v11, v11;
	v14 =	vmul.f32 v14, v14  }
0x78: {  	v31 =	vld.idx.msk [tilespmem:v0+s13+$0x0], $0xffff;
	v6 =	vshll.u32 v6, $0x2;
	v15 =	vmul.f32 v15, v15;
	v24 =	vmul.f32 v53, v53  }
0x79: {  	v33 =	vld.idx.msk [tilespmem:v16+s13+$0x0], $0xffff;
	v51 =	vsub.f32 v43, v42;
	v22 =	vmul.f32 v22, v22;
	v23 =	vmul.f32 v23, v23  }
0x7a: {  	v6 =	vadd.s32 v18, v6;
	v58 =	vmul.f32 v55, v55;
	v59 =	vmul.f32 v56, v56;
	v56 =	vld.idx.msk [tilespmem:v7+s14+$0x0], $0xffff  }
0x7b: {  	v60 =	vmul.f32 v57, v57;
	v53 =	vsub.f32 v45, v44;
	v10 =	vadd.f32 v11, v10;
	v11 =	vld.idx.msk [tilespmem:v4+s13+$0x0], $0xffff  }
0x7c: {  	v7 =	vsub.f32 v49, v48;
	v34 =	vmul.f32 v51, v51;
	v12 =	vld.idx.msk [tilespmem:v1+s12+$0x0], $0xffff;
	v15 =	vadd.f32 v24, v15  }
0x7d: {  	v46 =	vld.idx.msk [tilespmem:v1+s3+$0x0], $0xffff;
	v22 =	vadd.f32 v23, v22;
	v18 =	vmul.f32 v53, v53;
	v10 =	vadd.f32 v14, v10  }
0x7e: {  	s22 =	simm.s32 $0xE240;
	v28 =	vld.idx.msk [tilespmem:v5+s13+$0x0], $0xffff;
	v24 =	vadd.f32 v60, v59;
	v7 =	vmul.f32 v7, v7;
	v59 =	vsub.f32 v50, v62  }
0x7f: {  	v55 =	vld.idx.msk [tilespmem:v20+s13+$0x0], $0xffff;
	v18 =	vadd.f32 v18, v34;
	[tilespmem:s22+$0x30] =	vst v10;
	v10 =	vsub.f32 v41, v40  }
0x80: {  	v57 =	vld.idx.msk [tilespmem:v8+s14+$0x0], $0xffff;
	v14 =	vmul.f32 v54, v54;
	v7 =	vadd.f32 v7, v22;
	v8 =	vsub.f32 v25, v11  }
0x81: {  	v52 =	vld.idx.msk [tilespmem:v1+s13+$0x0], $0xffff;
	v12 =	vsub.f32 v13, v12;
	v13 =	vmul.f32 v63, v63;
	v10 =	vmul.f32 v10, v10  }
0x82: {  	v9 =	vld.idx.msk [tilespmem:v9+s14+$0x0], $0xffff;
	v14 =	vadd.f32 v58, v14;
	v54 =	vsub.f32 v47, v46;
	v8 =	vmul.f32 v8, v8  }
0x83: {  	s23 =	simm.s32 $0x10440;
	v16 =	vld.idx.msk [tilespmem:v16+s14+$0x0], $0xffff;
	v10 =	vadd.f32 v10, v13;
	v13 =	vsub.f32 v29, v26  }
0x84: {  	[tilespmem:s23+$0x30] =	vst v6;
	v11 =	vmul.f32 v54, v54;
	v6 =	vadd.f32 v8, v15;
	v8 =	vsub.f32 v61, v28  }
0x85: {  	v60 =	vld.idx.msk [tilespmem:v21+s14+$0x0], $0xffff;
	v58 =	vsub.f32 v33, v31;
	v12 =	vmul.f32 v12, v12;
	v13 =	vmul.f32 v13, v13  }
0x86: {  	v62 =	vsub.f32 v55, v52;
	[tilespmem:s22+$0xFFFFFFC0] =	vst v7;
	v7 =	vld.idx.msk [tilespmem:v4+s14+$0x0], $0xffff;
	v61 =	vmul.f32 v8, v8  }
0x87: {  	v11 =	vadd.f32 v12, v11;
	v12 =	vld.idx.msk [tilespmem:v17+s14+$0x0], $0xffff;
	v13 =	vadd.f32 v13, v14;
	v14 =	vmul.f32 v58, v58  }
0x88: {  	v15 =	vld.idx.msk [tilespmem:v20+s14+$0x0], $0xffff;
	[tilespmem:s22+$0xFFFFFFD0] =	vst v6;
	v6 =	vadd.f32 v61, v10;
	v10 =	vmul.f32 v62, v62  }
0x89: {  	v8 =	vld.idx.msk [tilespmem:v2+s14+$0x0], $0xffff;
	v4 =	vadd.f32 v14, v24;
	v14 =	vmul.f32 v59, v59;
	[tilespmem:s22+$0xFFFFFFE0] =	vst v13  }
0x8a: {  	v2 =	vld.idx.msk [tilespmem:v5+s14+$0x0], $0xffff;
	v63 =	vadd.f32 v10, v11;
	[tilespmem:s22+$0x0] =	vst v6  }
0x8b: {  	v0 =	vld.idx.msk [tilespmem:v0+s14+$0x0], $0xffff;
	v5 =	vshll.u32 v57, $0x2;
	v11 =	vshll.u32 v9, $0x2;
	v13 =	vadd.f32 v14, v18;
	[tilespmem:s22+$0xFFFFFFF0] =	vst v4  }
0x8c: {  	v9 =	vshll.u32 v16, $0x2;
	v10 =	vshll.u32 v12, $0x2;
	v6 =	vld.idx.msk [tilespmem:v1+s14+$0x0], $0xffff;
	v14 =	vshll.u32 v56, $0x2;
	[tilespmem:s22+$0x20] =	vst v63  }
0x8d: {  	s24 =	simm.s32 $0x0;
	s25 =	simm.s32 $0x9F80;
	v3 =	vld.idx.msk [tilespmem:v3+s14+$0x0], $0xffff;
	v1 =	vshll.u32 v19, $0x2;
	v4 =	vshll.u32 v15, $0x2;
	v12 =	vadd.s32 v60, v14;
	[tilespmem:s22+$0x10] =	vst v13  }
.LBB2_2:
0x8e: {  	v13 =	vld [tilespmem:s25+$0xFFFFFFF0];
	[tilespmem:s23+$0xFFFFFFC0] =	vst v12;
	v5 =	vadd.s32 v7, v5  }
0x8f: {  	v7 =	vadd.s32 v8, v11;
	v12 =	vld [tilespmem:s25+$0x70];
	[tilespmem:s23+$0xFFFFFFD0] =	vst v5  }
0x90: {  	v5 =	vld [tilespmem:s25+$0x0];
	[tilespmem:s23+$0xFFFFFFE0] =	vst v7;
	v7 =	vadd.s32 v0, v9  }
0x91: {  	v2 =	vadd.s32 v2, v10;
	v0 =	vld [tilespmem:s25+$0xFFFFFF90];
	[tilespmem:s23+$0xFFFFFFF0] =	vst v7  }
0x92: {  	s24 =	sadd.s32 $0x8, s24;
	v7 =	vld [tilespmem:s25+$0x10];
	[tilespmem:s23+$0x0] =	vst v2;
	v2 =	vadd.s32 v3, v1  }
0x93: {  	p1 =	slt.u32 s24, $0x218;
	v1 =	vld [tilespmem:s25+$0xFFFFFFA0];
	[tilespmem:s23+$0x10] =	vst v2;
	v2 =	vadd.s32 v6, v4  }
0x94: {  	v8 =	vld [tilespmem:s25+$0x20];
	[tilespmem:s23+$0x20] =	vst v2  }
0x95: {  	v2 =	vld [tilespmem:s25+$0xFFFFFFB0]  }
0x96: {  	v6 =	vld.idx.msk [tilespmem:v13+s3+$0x0], $0xffff  }
0x97: {  	v11 =	vld.idx.msk [tilespmem:v12+s3+$0x0], $0xffff  }
0x98: {  	v14 =	vld.idx.msk [tilespmem:v13+s12+$0x0], $0xffff  }
0x99: {  	v15 =	vld.idx.msk [tilespmem:v12+s12+$0x0], $0xffff  }
0x9a: {  	v16 =	vld.idx.msk [tilespmem:v13+s13+$0x0], $0xffff  }
0x9b: {  	v17 =	vld.idx.msk [tilespmem:v12+s13+$0x0], $0xffff  }
0x9c: {  	v10 =	vld [tilespmem:s25+$0x30]  }
0x9d: {  	v3 =	vld [tilespmem:s25+$0xFFFFFFC0]  }
0x9e: {  	v9 =	vld [tilespmem:s25+$0x40]  }
0x9f: {  	v6 =	vsub.f32 v11, v6;
	v11 =	vsub.f32 v15, v14;
	v4 =	vld [tilespmem:s25+$0xFFFFFFD0]  }
0xa0: {  	v14 =	vld.idx.msk [tilespmem:v12+s14+$0x0], $0xffff  }
0xa1: {  	v12 =	vsub.f32 v17, v16;
	v16 =	vmul.f32 v11, v11;
	v15 =	vld.idx.msk [tilespmem:v13+s14+$0x0], $0xffff;
	v13 =	vmul.f32 v6, v6  }
0xa2: {  	v11 =	vld [tilespmem:s25+$0x50]  }
0xa3: {  	v17 =	vmul.f32 v12, v12;
	v6 =	vld [tilespmem:s25+$0xFFFFFFE0];
	v16 =	vadd.f32 v16, v13  }
0xa4: {  	v13 =	vld [tilespmem:s25+$0x60]  }
0xa5: {  	v12 =	vld [tilespmem:s25+$0xFFFFFF80];
	v16 =	vadd.f32 v17, v16  }
0xa6: {  	s22 =	sadd.s32 $0x80, s22;
	v14 =	vshll.u32 v14, $0x2;
	v17 =	vld.idx.msk [tilespmem:v5+s3+$0x0], $0xffff  }
0xa7: {  	s23 =	sadd.s32 $0x80, s23;
	v14 =	vadd.s32 v15, v14;
	v18 =	vld.idx.msk [tilespmem:v5+s12+$0x0], $0xffff;
	[tilespmem:s22+$0x30] =	vst v16  }
0xa8: {  	v15 =	vld.idx.msk [tilespmem:v0+s3+$0x0], $0xffff;
	[tilespmem:s23+$0x30] =	vst v14  }
0xa9: {  	v14 =	vld.idx.msk [tilespmem:v7+s3+$0x0], $0xffff  }
0xaa: {  	v16 =	vld.idx.msk [tilespmem:v0+s12+$0x0], $0xffff  }
0xab: {  	v19 =	vld.idx.msk [tilespmem:v7+s12+$0x0], $0xffff  }
0xac: {  	v20 =	vld.idx.msk [tilespmem:v1+s3+$0x0], $0xffff  }
0xad: {  	v21 =	vld.idx.msk [tilespmem:v12+s3+$0x0], $0xffff  }
0xae: {  	v22 =	vld.idx.msk [tilespmem:v12+s12+$0x0], $0xffff  }
0xaf: {  	v14 =	vsub.f32 v14, v15;
	v15 =	vld.idx.msk [tilespmem:v8+s3+$0x0], $0xffff  }
0xb0: {  	v23 =	vld.idx.msk [tilespmem:v1+s12+$0x0], $0xffff  }
0xb1: {  	v16 =	vsub.f32 v19, v16;
	v14 =	vmul.f32 v14, v14;
	v19 =	vld.idx.msk [tilespmem:v8+s12+$0x0], $0xffff  }
0xb2: {  	v24 =	vld.idx.msk [tilespmem:v2+s3+$0x0], $0xffff  }
0xb3: {  	v17 =	vsub.f32 v17, v21;
	v16 =	vmul.f32 v16, v16;
	v21 =	vld.idx.msk [tilespmem:v10+s3+$0x0], $0xffff  }
0xb4: {  	v18 =	vsub.f32 v18, v22;
	v22 =	vld.idx.msk [tilespmem:v2+s12+$0x0], $0xffff  }
0xb5: {  	v17 =	vmul.f32 v17, v17;
	v14 =	vadd.f32 v16, v14;
	v15 =	vsub.f32 v15, v20;
	v16 =	vld.idx.msk [tilespmem:v10+s12+$0x0], $0xffff  }
0xb6: {  	v18 =	vmul.f32 v18, v18;
	v20 =	vld.idx.msk [tilespmem:v3+s3+$0x0], $0xffff  }
0xb7: {  	v19 =	vsub.f32 v19, v23;
	v15 =	vmul.f32 v15, v15;
	v23 =	vld.idx.msk [tilespmem:v9+s3+$0x0], $0xffff  }
0xb8: {  	v17 =	vadd.f32 v18, v17;
	v18 =	vld.idx.msk [tilespmem:v3+s12+$0x0], $0xffff  }
0xb9: {  	v19 =	vmul.f32 v19, v19;
	v21 =	vsub.f32 v21, v24;
	v24 =	vld.idx.msk [tilespmem:v9+s12+$0x0], $0xffff  }
0xba: {  	v25 =	vld.idx.msk [tilespmem:v4+s3+$0x0], $0xffff  }
0xbb: {  	v15 =	vadd.f32 v19, v15;
	v16 =	vsub.f32 v16, v22;
	v19 =	vmul.f32 v21, v21;
	v21 =	vld.idx.msk [tilespmem:v11+s3+$0x0], $0xffff  }
0xbc: {  	v22 =	vld.idx.msk [tilespmem:v4+s12+$0x0], $0xffff  }
0xbd: {  	v16 =	vmul.f32 v16, v16;
	v20 =	vsub.f32 v23, v20;
	v23 =	vld.idx.msk [tilespmem:v11+s12+$0x0], $0xffff  }
0xbe: {  	v26 =	vld.idx.msk [tilespmem:v6+s3+$0x0], $0xffff  }
0xbf: {  	v16 =	vadd.f32 v16, v19;
	v18 =	vsub.f32 v24, v18;
	v19 =	vmul.f32 v20, v20;
	v20 =	vld.idx.msk [tilespmem:v13+s3+$0x0], $0xffff  }
0xc0: {  	v24 =	vld.idx.msk [tilespmem:v6+s12+$0x0], $0xffff  }
0xc1: {  	v18 =	vmul.f32 v18, v18;
	v21 =	vsub.f32 v21, v25;
	v25 =	vld.idx.msk [tilespmem:v13+s12+$0x0], $0xffff  }
0xc2: {  	v27 =	vld.idx.msk [tilespmem:v12+s13+$0x0], $0xffff  }
0xc3: {  	v18 =	vadd.f32 v18, v19;
	v19 =	vsub.f32 v23, v22;
	v21 =	vmul.f32 v21, v21;
	v28 =	vld.idx.msk [tilespmem:v5+s13+$0x0], $0xffff  }
0xc4: {  	v22 =	vld.idx.msk [tilespmem:v0+s13+$0x0], $0xffff  }
0xc5: {  	v19 =	vmul.f32 v19, v19;
	v20 =	vsub.f32 v20, v26;
	v23 =	vld.idx.msk [tilespmem:v7+s13+$0x0], $0xffff  }
0xc6: {  	v26 =	vld.idx.msk [tilespmem:v1+s13+$0x0], $0xffff  }
0xc7: {  	v19 =	vadd.f32 v19, v21;
	v21 =	vsub.f32 v25, v24;
	v20 =	vmul.f32 v20, v20;
	v29 =	vld.idx.msk [tilespmem:v8+s13+$0x0], $0xffff  }
0xc8: {  	v24 =	vld.idx.msk [tilespmem:v2+s13+$0x0], $0xffff  }
0xc9: {  	v25 =	vsub.f32 v28, v27;
	v21 =	vmul.f32 v21, v21;
	v27 =	vld.idx.msk [tilespmem:v10+s13+$0x0], $0xffff  }
0xca: {  	v28 =	vld.idx.msk [tilespmem:v3+s13+$0x0], $0xffff  }
0xcb: {  	v25 =	vmul.f32 v25, v25;
	v22 =	vsub.f32 v23, v22;
	v20 =	vadd.f32 v21, v20;
	v23 =	vld.idx.msk [tilespmem:v9+s13+$0x0], $0xffff  }
0xcc: {  	v21 =	vld.idx.msk [tilespmem:v4+s13+$0x0], $0xffff  }
0xcd: {  	v17 =	vadd.f32 v25, v17;
	v22 =	vmul.f32 v22, v22;
	v25 =	vsub.f32 v29, v26;
	v26 =	vld.idx.msk [tilespmem:v11+s13+$0x0], $0xffff  }
0xce: {  	v29 =	vld.idx.msk [tilespmem:v6+s13+$0x0], $0xffff  }
0xcf: {  	v14 =	vadd.f32 v22, v14;
	v22 =	vmul.f32 v25, v25;
	v24 =	vsub.f32 v27, v24;
	v25 =	vld.idx.msk [tilespmem:v13+s13+$0x0], $0xffff  }
0xd0: {  	v5 =	vld.idx.msk [tilespmem:v5+s14+$0x0], $0xffff  }
0xd1: {  	v15 =	vadd.f32 v22, v15;
	v22 =	vmul.f32 v24, v24;
	v23 =	vsub.f32 v23, v28;
	v7 =	vld.idx.msk [tilespmem:v7+s14+$0x0], $0xffff  }
0xd2: {  	v8 =	vld.idx.msk [tilespmem:v8+s14+$0x0], $0xffff  }
0xd3: {  	v16 =	vadd.f32 v22, v16;
	v22 =	vmul.f32 v23, v23;
	v21 =	vsub.f32 v26, v21;
	v10 =	vld.idx.msk [tilespmem:v10+s14+$0x0], $0xffff  }
0xd4: {  	v23 =	vld.idx.msk [tilespmem:v9+s14+$0x0], $0xffff  }
0xd5: {  	v18 =	vadd.f32 v22, v18;
	v9 =	vmul.f32 v21, v21;
	v22 =	vld.idx.msk [tilespmem:v11+s14+$0x0], $0xffff;
	v11 =	vsub.f32 v25, v29  }
0xd6: {  	v21 =	vshll.u32 v5, $0x2;
	v13 =	vld.idx.msk [tilespmem:v13+s14+$0x0], $0xffff  }
0xd7: {  	v5 =	vshll.u32 v7, $0x2;
	v12 =	vld.idx.msk [tilespmem:v12+s14+$0x0], $0xffff;
	[tilespmem:s22+$0xFFFFFFC0] =	vst v17;
	v17 =	vadd.f32 v9, v19;
	v19 =	vmul.f32 v11, v11  }
0xd8: {  	v11 =	vshll.u32 v8, $0x2;
	v7 =	vld.idx.msk [tilespmem:v0+s14+$0x0], $0xffff;
	[tilespmem:s22+$0xFFFFFFD0] =	vst v14  }
.Ltmp0:
0xd9: {  	v9 =	vshll.u32 v10, $0x2;
	v8 =	vld.idx.msk [tilespmem:v1+s14+$0x0], $0xffff;
	[tilespmem:s22+$0xFFFFFFE0] =	vst v15;
	v14 =	vadd.f32 v19, v20;
	(pc) =	sbr.rel @p1 .LBB2_2-.Ltmp0, $4  }
0xda: {  	v10 =	vshll.u32 v23, $0x2;
	v0 =	vld.idx.msk [tilespmem:v2+s14+$0x0], $0xffff;
	[tilespmem:s22+$0xFFFFFFF0] =	vst v16  }
0xdb: {  	v1 =	vshll.u32 v22, $0x2;
	v2 =	vld.idx.msk [tilespmem:v3+s14+$0x0], $0xffff;
	[tilespmem:s22+$0x0] =	vst v18  }
0xdc: {  	v3 =	vld.idx.msk [tilespmem:v4+s14+$0x0], $0xffff;
	[tilespmem:s22+$0x10] =	vst v17;
	v4 =	vshll.u32 v13, $0x2  }
0xdd: {  	s25 =	sadd.s32 $0x100, s25;
	v12 =	vadd.s32 v12, v21;
	v6 =	vld.idx.msk [tilespmem:v6+s14+$0x0], $0xffff;
	[tilespmem:s22+$0x20] =	vst v14  }
0xde: {  	[tilespmem:s23+$0xFFFFFFC0] =	vst v12;
	v5 =	vadd.s32 v7, v5  }
0xdf: {  	v60 =	vadd.s32 v8, v11;
	[tilespmem:s23+$0xFFFFFFD0] =	vst v5  }
0xe0: {  	[tilespmem:s23+$0xFFFFFFE0] =	vst v60;
	v0 =	vadd.s32 v0, v9  }
0xe1: {  	[tilespmem:s23+$0xFFFFFFF0] =	vst v0;
	v61 =	vadd.s32 v2, v10  }
0xe2: {  	[tilespmem:s23+$0x0] =	vst v61;
	v62 =	vadd.s32 v3, v1  }
0xe3: {  	[tilespmem:s23+$0x10] =	vst v62;
	v63 =	vadd.s32 v6, v4  }
0xe4: {  	[tilespmem:s23+$0x20] =	vst v63  }
0xe5: {  	[hbm4b:s9+s16] =	stream.strided.scatter [tilespmem:s18], [sflag:$0x2], $0x2200, s17, s16, $0x38;
	[tilespmem:$0x12600] =	vst v63  }
0xe6: {  	s21 =	sadd.s32 $0x1, s21;
	_ =	swait.ge [sflag:s19], $0x2200  }
0xe7: {  	p1 =	sne.s32 s21, s11;
	[sflag:s19] =	ssyncset.done $0x0  }
.Ltmp1:
0xe8: {  	[sflag:s19] =	ssyncadd.s32 $0xFFFFDE00;
	(pc) =	sbr.rel @p1 .LBB2_1-.Ltmp1, $4  }
0xe9: {  	[hbm4b:s10+s16] =	stream.strided.scatter [tilespmem:s20], [sflag:$0x2], $0x2200, s17, s16, $0x38;
	[tilespmem:$0x12600] =	vst v63  }
0xea: {  	_ =	swait.ge [sflag:s19], $0x2200  }
0xeb: {  	[sflag:s19] =	ssyncset.done $0x0  }
0xec: {  	[sflag:s19] =	ssyncadd.s32 $0xFFFFDE00  }
0xed: {  	_ =	sfence.sel $0x180000  }
0xee: {  	[bflag:$0x0] =	sbarrier.arrive $0xFFFF  }
0xef: {  	p0 =	sne.s32 s0, $0x0;
	_ =	strace $0x90000047  }
0xf0: {  	s0 =	sadd.s32 @!p0 $0x100000, s1;
	[bflag:$0x2] =	sbarrier.arrive $0xFFFF  }
0xf1: {  	[sflag:s0] =	ssyncadd.tile.s32 @!p0 $0x1;
	_ =	shalt  }
.Lfunc_end2:
_tile_overlayer_lowered:
.L_overlay_start_2:
0xf2: {  	(tag) =	ssettag $0x2  }
0xf3: {  	s0 =	rddreg [dreg:$0x0];
	s2 =	stileid.u32  }
0xf4: {  	s1 =	rddreg [dreg:$0x1];
	p0 =	sne.s32 s2, $0x0  }
0xf5: {  	s3 =	rddreg [dreg:$0x2];
	[bflag:$0x3] =	sbarrier.arrive $0xFFFF;
	s2 =	simm.s32 @!p0 $0x1C02  }
0xf6: {  	[timem:s3], [sflag:s2] =	dma.local @!p0 [hbm:s0], s1  }
0xf7: {  	s0 =	simm.s32 @!p0 $0x2  }
0xf8: {  	_ =	swait.ge @!p0 [sflag:s0], s1  }
0xf9: {  	s1 =	ssub.s32 @!p0 $0x0, s1;
	[sflag:s0] =	ssyncset.done @!p0 $0x0  }
0xfa: {  	[sflag:s0] =	ssyncadd.s32 @!p0 s1  }
0xfb: {  	[bflag:$0x3] =	sbarrier.arrive $0xFFFF  }
0xfc: {  	_ =	shalt  }

</sc_bundles>
